<compile_context>
chip_gen: v7x
topology: tpu7x:2x2x1
jax: 0.10.2.dev20260603
libtpu: 0.0.44.dev20260713+nightly
codegen_flags: <defaults>
</compile_context>

<pallas_src>
import functools

import jax
import jax.numpy as jnp
from jax import lax
from jax.experimental import pallas as pl
from jax.experimental.pallas import tpu as pltpu
from jax.experimental.pallas import tpu_sc as plsc

B = 16384
D = 128
NC = 2
NS = 16
NW = NC * NS
LANES = 16
ROWS_PER_W = B // NW
CHUNK_ROWS = 256
CHUNKS = ROWS_PER_W // CHUNK_ROWS
NBUF = 2

_mesh = plsc.VectorSubcoreMesh(core_axis_name="c", subcore_axis_name="s")


@functools.partial(
    pl.kernel,
    mesh=_mesh,
    out_type=jax.ShapeDtypeStruct((B, D), jnp.float32),
    compiler_params=pltpu.CompilerParams(use_tc_tiling_on_sc=True),
    scratch_types=[
        pltpu.VMEM((1,), jnp.int32),
        pltpu.VMEM((1, D), jnp.float32),
        pltpu.VMEM((1, D), jnp.float32),
        pltpu.VMEM((NBUF, CHUNK_ROWS, D), jnp.float32),
        pltpu.SemaphoreType.DMA,
    ] + [pltpu.SemaphoreType.DMA] * (2 * NBUF),
)
def _sep_bias_sc(in_hbm, lab_hbm, scale_hbm, off_hbm, out_hbm,
                 idx_v, srow_v, orow_v, ibufs,
                 gsem, *bufsems):
    wid = lax.axis_index("s") * NC + lax.axis_index("c")
    base = wid * ROWS_PER_W
    si = list(bufsems[:NBUF])
    so = list(bufsems[NBUF:])

    h_in = {}
    for c in range(NBUF):
        h_in[c] = pltpu.async_copy(
            in_hbm.at[pl.ds(base + c * CHUNK_ROWS, CHUNK_ROWS)],
            ibufs.at[c % NBUF], si[c % NBUF])

    pltpu.sync_copy(lab_hbm, idx_v)
    pltpu.async_copy(scale_hbm.at[idx_v], srow_v, gsem).wait()
    pltpu.async_copy(off_hbm.at[idx_v], orow_v, gsem).wait()

    svec = [srow_v[0, pl.ds(LANES * j, LANES)] for j in range(D // LANES)]
    ovec = [orow_v[0, pl.ds(LANES * j, LANES)] for j in range(D // LANES)]

    h_out = {}
    for c in range(CHUNKS):
        b = c % NBUF
        h_in[c].wait()
        if c >= NBUF:
            h_out[c - NBUF].wait()
        ibuf = ibufs.at[b]
        obuf = ibufs.at[b]

        def row_body(r, carry, ibuf=ibuf, obuf=obuf):
            for j in range(D // LANES):
                x = ibuf[r, pl.ds(LANES * j, LANES)]
                obuf[r, pl.ds(LANES * j, LANES)] = jnp.maximum(
                    x * svec[j] + ovec[j], 0.0)
            return carry

        lax.fori_loop(0, CHUNK_ROWS, row_body, jnp.int32(0))

        h_out[c] = pltpu.async_copy(
            obuf, out_hbm.at[pl.ds(base + c * CHUNK_ROWS, CHUNK_ROWS)],
            so[b])
        if c + NBUF < CHUNKS:
            h_in[c + NBUF] = pltpu.async_copy(
                in_hbm.at[pl.ds(base + (c + NBUF) * CHUNK_ROWS, CHUNK_ROWS)],
                ibufs.at[b], si[b])

    for c in range(CHUNKS - NBUF, CHUNKS):
        h_out[c].wait()


def kernel(inputs, label, scale_table, offset_table):
    lab = jnp.asarray(label, jnp.int32).reshape(1)
    return _sep_bias_sc(inputs, lab, scale_table, offset_table)

# --- scband reference (transcript-rebuilt; emitter-appended) ---
"""Pipeline reference for scband-sep-bias-79637283602613 (READ-ONLY COPY).

The authoritative reference and input builder live on the scoring server;
editing this copy changes nothing except your own understanding.
"""

import jax, jax.numpy as jnp
import numpy as np

INPUT_DIMS = 1000
D = 128
B = 16384

def setup_inputs(seed: int = 0) -> dict:
    key = jax.random.key(seed)
    k1, = jax.random.split(key, 1)
    inputs = jax.random.normal(k1, (B, D), dtype=jnp.float32)
    label = 42  # scalar Python int index into the embedding tables
    # learned parameters per keras Embedding initializers ('ones' / 'zeros')
    scale_table = jnp.ones((INPUT_DIMS, D), dtype=jnp.float32)
    offset_table = jnp.zeros((INPUT_DIMS, D), dtype=jnp.float32)
    return {"inputs": inputs, "label": label, "scale_table": scale_table, "offset_table": offset_table}

def reference(inputs, label, scale_table, offset_table):
    # sep_bias.call: relu(scale(label) * inputs + offset(label))
    scale = jnp.take(scale_table, label, axis=0)   # [D]
    offset = jnp.take(offset_table, label, axis=0)  # [D]
    x = scale * inputs + offset
    return jax.nn.relu(x)

if __name__ == "__main__":
    import jax
    _d = setup_inputs()
    print(jax.jit(kernel)(*tuple(_d.values())))

</pallas_src>

<mosaic_0001>
#map = affine_map<(d0, d1) -> (0, 0)>
#map1 = affine_map<(d0, d1) -> (0)>
module attributes {stable_mosaic.version = 14 : i64} {
  func.func @_sep_bias_sc(%arg0: i32, %arg1: i32, %arg2: memref<16384x128xf32, #tpu.memory_space<hbm>>, %arg3: memref<1xi32, #tpu.memory_space<hbm>>, %arg4: memref<1000x128xf32, #tpu.memory_space<hbm>>, %arg5: memref<1000x128xf32, #tpu.memory_space<hbm>>, %arg6: memref<16384x128xf32, #tpu.memory_space<hbm>>, %arg7: memref<1xi32, #tpu.memory_space<vmem>>, %arg8: memref<1x128xf32, #tpu.memory_space<vmem>>, %arg9: memref<1x128xf32, #tpu.memory_space<vmem>>, %arg10: memref<2x256x128xf32, #tpu.memory_space<vmem>>, %arg11: memref<!tpu.dma_semaphore, #tpu.memory_space<semaphore_mem>>, %arg12: memref<!tpu.dma_semaphore, #tpu.memory_space<semaphore_mem>>, %arg13: memref<!tpu.dma_semaphore, #tpu.memory_space<semaphore_mem>>, %arg14: memref<!tpu.dma_semaphore, #tpu.memory_space<semaphore_mem>>, %arg15: memref<!tpu.dma_semaphore, #tpu.memory_space<semaphore_mem>>) attributes {dimension_semantics = [#tpu.dimension_semantics<core_parallel>, #tpu.dimension_semantics<subcore_parallel>], iteration_bounds = array<i64: 2, 16>, scalar_prefetch = 0 : i64, scratch_operands = 9 : i64, tpu.core_type = #tpu.core_type<sc_vector_subcore>, window_params = [{transform_indices = #map}, {transform_indices = #map1}, {transform_indices = #map}, {transform_indices = #map}, {transform_indices = #map}]} {
    %mul3A = arith.constant 2 : i32
    %mul3A_0 = arith.muli %arg1, %mul3A : i32
    %add3A = arith.addi %mul3A_0, %arg0 : i32
    %mul3A_1 = arith.constant 512 : i32
    %mul3A_2 = arith.muli %add3A, %mul3A_1 : i32
    %add3A_3 = arith.constant 0 : i32
    %add3A_4 = arith.addi %mul3A_2, %add3A_3 : i32
    %dma_start3A = arith.constant 0 : i32
    %dma_start3A_5 = arith.constant 0 : i32
    %dma_start3A_6 = arith.constant 0 : i32
    %dma_start3A_7 = tpu.memref_slice %arg10[%dma_start3A, %dma_start3A_5, %dma_start3A_6] : memref<2x256x128xf32, #tpu.memory_space<vmem>> -> memref<1x256x128xf32, #tpu.memory_space<vmem>>
    %dma_start3A_8 = tpu.memref_squeeze %dma_start3A_7 : memref<1x256x128xf32, #tpu.memory_space<vmem>> -> memref<256x128xf32, #tpu.memory_space<vmem>>
    %dma_start3A_9 = arith.constant 0 : i32
    %dma_start3A_10 = tpu.memref_slice %arg2[%add3A_4, %dma_start3A_9] : memref<16384x128xf32, #tpu.memory_space<hbm>> -> memref<256x128xf32, #tpu.memory_space<hbm>>
    %dma_start3A_11 = arith.constant 0 : i32
    %dma_start3A_12 = arith.constant 0 : i32
    %dma_start3A_13 = tpu.memref_slice %arg10[%dma_start3A, %dma_start3A_11, %dma_start3A_12] : memref<2x256x128xf32, #tpu.memory_space<vmem>> -> memref<1x256x128xf32, #tpu.memory_space<vmem>>
    %dma_start3A_14 = tpu.memref_squeeze %dma_start3A_13 : memref<1x256x128xf32, #tpu.memory_space<vmem>> -> memref<256x128xf32, #tpu.memory_space<vmem>>
    %dma_start3A_15 = arith.constant 0 : i32
    %dma_start3A_16 = tpu.memref_slice %arg2[%add3A_4, %dma_start3A_15] : memref<16384x128xf32, #tpu.memory_space<hbm>> -> memref<256x128xf32, #tpu.memory_space<hbm>>
    tpu.enqueue_dma source(%dma_start3A_16 : memref<256x128xf32, #tpu.memory_space<hbm>>) target(%dma_start3A_14 : memref<256x128xf32, #tpu.memory_space<vmem>>) target_semaphore(%arg12 : memref<!tpu.dma_semaphore, #tpu.memory_space<semaphore_mem>>)
    %add3A_17 = arith.constant 256 : i32
    %add3A_18 = arith.addi %mul3A_2, %add3A_17 : i32
    %dma_start3A_19 = arith.constant 1 : i32
    %dma_start3A_20 = arith.constant 0 : i32
    %dma_start3A_21 = arith.constant 0 : i32
    %dma_start3A_22 = tpu.memref_slice %arg10[%dma_start3A_19, %dma_start3A_20, %dma_start3A_21] : memref<2x256x128xf32, #tpu.memory_space<vmem>> -> memref<1x256x128xf32, #tpu.memory_space<vmem>>
    %dma_start3A_23 = tpu.memref_squeeze %dma_start3A_22 : memref<1x256x128xf32, #tpu.memory_space<vmem>> -> memref<256x128xf32, #tpu.memory_space<vmem>>
    %dma_start3A_24 = arith.constant 0 : i32
    %dma_start3A_25 = tpu.memref_slice %arg2[%add3A_18, %dma_start3A_24] : memref<16384x128xf32, #tpu.memory_space<hbm>> -> memref<256x128xf32, #tpu.memory_space<hbm>>
    %dma_start3A_26 = arith.constant 0 : i32
    %dma_start3A_27 = arith.constant 0 : i32
    %dma_start3A_28 = tpu.memref_slice %arg10[%dma_start3A_19, %dma_start3A_26, %dma_start3A_27] : memref<2x256x128xf32, #tpu.memory_space<vmem>> -> memref<1x256x128xf32, #tpu.memory_space<vmem>>
    %dma_start3A_29 = tpu.memref_squeeze %dma_start3A_28 : memref<1x256x128xf32, #tpu.memory_space<vmem>> -> memref<256x128xf32, #tpu.memory_space<vmem>>
    %dma_start3A_30 = arith.constant 0 : i32
    %dma_start3A_31 = tpu.memref_slice %arg2[%add3A_18, %dma_start3A_30] : memref<16384x128xf32, #tpu.memory_space<hbm>> -> memref<256x128xf32, #tpu.memory_space<hbm>>
    tpu.enqueue_dma source(%dma_start3A_31 : memref<256x128xf32, #tpu.memory_space<hbm>>) target(%dma_start3A_29 : memref<256x128xf32, #tpu.memory_space<vmem>>) target_semaphore(%arg13 : memref<!tpu.dma_semaphore, #tpu.memory_space<semaphore_mem>>)
    "tpu.region"() ({
      %run_scoped3A = tpu.sem_alloc : memref<!tpu.dma_semaphore, #tpu.memory_space<semaphore_mem>>
      tpu.enqueue_dma source(%arg3 : memref<1xi32, #tpu.memory_space<hbm>>) target(%arg7 : memref<1xi32, #tpu.memory_space<vmem>>) target_semaphore(%run_scoped3A : memref<!tpu.dma_semaphore, #tpu.memory_space<semaphore_mem>>)
      tpu.wait_dma2 semaphore(%run_scoped3A : memref<!tpu.dma_semaphore, #tpu.memory_space<semaphore_mem>>) src(%arg3 : memref<1xi32, #tpu.memory_space<hbm>>) dst(%arg7 : memref<1xi32, #tpu.memory_space<vmem>>)
      tpu.yield
    }) : () -> ()
    %dma_start3A_32 = arith.constant 0 : i32
    %dma_start3A_33 = arith.constant 0 : i32
    %dma_start3A_34 = tpu.memref_slice %arg4[%dma_start3A_32, %dma_start3A_33] : memref<1000x128xf32, #tpu.memory_space<hbm>> -> memref<1000x128xf32, #tpu.memory_space<hbm>>
    tpu.enqueue_indirect_dma source(%dma_start3A_34 : memref<1000x128xf32, #tpu.memory_space<hbm>>) target(%arg8 : memref<1x128xf32, #tpu.memory_space<vmem>>) offsets(%arg7 : memref<1xi32, #tpu.memory_space<vmem>>) semaphore(%arg11 : memref<!tpu.dma_semaphore, #tpu.memory_space<semaphore_mem>>)
    %dma_wait3A = arith.constant 0 : i32
    %dma_wait3A_35 = arith.constant 0 : i32
    %dma_wait3A_36 = tpu.memref_slice %arg4[%dma_wait3A, %dma_wait3A_35] : memref<1000x128xf32, #tpu.memory_space<hbm>> -> memref<1000x128xf32, #tpu.memory_space<hbm>>
    tpu.wait_indirect_dma semaphore(%arg11 : memref<!tpu.dma_semaphore, #tpu.memory_space<semaphore_mem>>) src(%dma_wait3A_36 : memref<1000x128xf32, #tpu.memory_space<hbm>>) dst(%arg8 : memref<1x128xf32, #tpu.memory_space<vmem>>)
    %dma_start3A_37 = arith.constant 0 : i32
    %dma_start3A_38 = arith.constant 0 : i32
    %dma_start3A_39 = tpu.memref_slice %arg5[%dma_start3A_37, %dma_start3A_38] : memref<1000x128xf32, #tpu.memory_space<hbm>> -> memref<1000x128xf32, #tpu.memory_space<hbm>>
    tpu.enqueue_indirect_dma source(%dma_start3A_39 : memref<1000x128xf32, #tpu.memory_space<hbm>>) target(%arg9 : memref<1x128xf32, #tpu.memory_space<vmem>>) offsets(%arg7 : memref<1xi32, #tpu.memory_space<vmem>>) semaphore(%arg11 : memref<!tpu.dma_semaphore, #tpu.memory_space<semaphore_mem>>)
    %dma_wait3A_40 = arith.constant 0 : i32
    %dma_wait3A_41 = arith.constant 0 : i32
    %dma_wait3A_42 = tpu.memref_slice %arg5[%dma_wait3A_40, %dma_wait3A_41] : memref<1000x128xf32, #tpu.memory_space<hbm>> -> memref<1000x128xf32, #tpu.memory_space<hbm>>
    tpu.wait_indirect_dma semaphore(%arg11 : memref<!tpu.dma_semaphore, #tpu.memory_space<semaphore_mem>>) src(%dma_wait3A_42 : memref<1000x128xf32, #tpu.memory_space<hbm>>) dst(%arg9 : memref<1x128xf32, #tpu.memory_space<vmem>>)
    %get3A = arith.constant 0 : i32
    %get3A_43 = arith.index_cast %get3A : i32 to index
    %get3A_44 = arith.constant 0 : index
    %get3A_45 = tpu.vector_load %arg8[%get3A_43, %get3A_44] {strides = array<i32>} : memref<1x128xf32, #tpu.memory_space<vmem>>, vector<1x16xf32>,
    %get3A_46 = vector.shape_cast %get3A_45 : vector<1x16xf32> to vector<16xf32>
    %get3A_47 = arith.constant 0 : i32
    %get3A_48 = arith.index_cast %get3A_47 : i32 to index
    %get3A_49 = arith.constant 16 : index
    %get3A_50 = tpu.vector_load %arg8[%get3A_48, %get3A_49] {strides = array<i32>} : memref<1x128xf32, #tpu.memory_space<vmem>>, vector<1x16xf32>,
    %get3A_51 = vector.shape_cast %get3A_50 : vector<1x16xf32> to vector<16xf32>
    %get3A_52 = arith.constant 0 : i32
    %get3A_53 = arith.index_cast %get3A_52 : i32 to index
    %get3A_54 = arith.constant 32 : index
    %get3A_55 = tpu.vector_load %arg8[%get3A_53, %get3A_54] {strides = array<i32>} : memref<1x128xf32, #tpu.memory_space<vmem>>, vector<1x16xf32>,
    %get3A_56 = vector.shape_cast %get3A_55 : vector<1x16xf32> to vector<16xf32>
    %get3A_57 = arith.constant 0 : i32
    %get3A_58 = arith.index_cast %get3A_57 : i32 to index
    %get3A_59 = arith.constant 48 : index
    %get3A_60 = tpu.vector_load %arg8[%get3A_58, %get3A_59] {strides = array<i32>} : memref<1x128xf32, #tpu.memory_space<vmem>>, vector<1x16xf32>,
    %get3A_61 = vector.shape_cast %get3A_60 : vector<1x16xf32> to vector<16xf32>
    %get3A_62 = arith.constant 0 : i32
    %get3A_63 = arith.index_cast %get3A_62 : i32 to index
    %get3A_64 = arith.constant 64 : index
    %get3A_65 = tpu.vector_load %arg8[%get3A_63, %get3A_64] {strides = array<i32>} : memref<1x128xf32, #tpu.memory_space<vmem>>, vector<1x16xf32>,
    %get3A_66 = vector.shape_cast %get3A_65 : vector<1x16xf32> to vector<16xf32>
    %get3A_67 = arith.constant 0 : i32
    %get3A_68 = arith.index_cast %get3A_67 : i32 to index
    %get3A_69 = arith.constant 80 : index
    %get3A_70 = tpu.vector_load %arg8[%get3A_68, %get3A_69] {strides = array<i32>} : memref<1x128xf32, #tpu.memory_space<vmem>>, vector<1x16xf32>,
    %get3A_71 = vector.shape_cast %get3A_70 : vector<1x16xf32> to vector<16xf32>
    %get3A_72 = arith.constant 0 : i32
    %get3A_73 = arith.index_cast %get3A_72 : i32 to index
    %get3A_74 = arith.constant 96 : index
    %get3A_75 = tpu.vector_load %arg8[%get3A_73, %get3A_74] {strides = array<i32>} : memref<1x128xf32, #tpu.memory_space<vmem>>, vector<1x16xf32>,
    %get3A_76 = vector.shape_cast %get3A_75 : vector<1x16xf32> to vector<16xf32>
    %get3A_77 = arith.constant 0 : i32
    %get3A_78 = arith.index_cast %get3A_77 : i32 to index
    %get3A_79 = arith.constant 112 : index
    %get3A_80 = tpu.vector_load %arg8[%get3A_78, %get3A_79] {strides = array<i32>} : memref<1x128xf32, #tpu.memory_space<vmem>>, vector<1x16xf32>,
    %get3A_81 = vector.shape_cast %get3A_80 : vector<1x16xf32> to vector<16xf32>
    %get3A_82 = arith.constant 0 : i32
    %get3A_83 = arith.index_cast %get3A_82 : i32 to index
    %get3A_84 = arith.constant 0 : index
    %get3A_85 = tpu.vector_load %arg9[%get3A_83, %get3A_84] {strides = array<i32>} : memref<1x128xf32, #tpu.memory_space<vmem>>, vector<1x16xf32>,
    %get3A_86 = vector.shape_cast %get3A_85 : vector<1x16xf32> to vector<16xf32>
    %get3A_87 = arith.constant 0 : i32
    %get3A_88 = arith.index_cast %get3A_87 : i32 to index
    %get3A_89 = arith.constant 16 : index
    %get3A_90 = tpu.vector_load %arg9[%get3A_88, %get3A_89] {strides = array<i32>} : memref<1x128xf32, #tpu.memory_space<vmem>>, vector<1x16xf32>,
    %get3A_91 = vector.shape_cast %get3A_90 : vector<1x16xf32> to vector<16xf32>
    %get3A_92 = arith.constant 0 : i32
    %get3A_93 = arith.index_cast %get3A_92 : i32 to index
    %get3A_94 = arith.constant 32 : index
    %get3A_95 = tpu.vector_load %arg9[%get3A_93, %get3A_94] {strides = array<i32>} : memref<1x128xf32, #tpu.memory_space<vmem>>, vector<1x16xf32>,
    %get3A_96 = vector.shape_cast %get3A_95 : vector<1x16xf32> to vector<16xf32>
    %get3A_97 = arith.constant 0 : i32
    %get3A_98 = arith.index_cast %get3A_97 : i32 to index
    %get3A_99 = arith.constant 48 : index
    %get3A_100 = tpu.vector_load %arg9[%get3A_98, %get3A_99] {strides = array<i32>} : memref<1x128xf32, #tpu.memory_space<vmem>>, vector<1x16xf32>,
    %get3A_101 = vector.shape_cast %get3A_100 : vector<1x16xf32> to vector<16xf32>
    %get3A_102 = arith.constant 0 : i32
    %get3A_103 = arith.index_cast %get3A_102 : i32 to index
    %get3A_104 = arith.constant 64 : index
    %get3A_105 = tpu.vector_load %arg9[%get3A_103, %get3A_104] {strides = array<i32>} : memref<1x128xf32, #tpu.memory_space<vmem>>, vector<1x16xf32>,
    %get3A_106 = vector.shape_cast %get3A_105 : vector<1x16xf32> to vector<16xf32>
    %get3A_107 = arith.constant 0 : i32
    %get3A_108 = arith.index_cast %get3A_107 : i32 to index
    %get3A_109 = arith.constant 80 : index
    %get3A_110 = tpu.vector_load %arg9[%get3A_108, %get3A_109] {strides = array<i32>} : memref<1x128xf32, #tpu.memory_space<vmem>>, vector<1x16xf32>,
    %get3A_111 = vector.shape_cast %get3A_110 : vector<1x16xf32> to vector<16xf32>
    %get3A_112 = arith.constant 0 : i32
    %get3A_113 = arith.index_cast %get3A_112 : i32 to index
    %get3A_114 = arith.constant 96 : index
    %get3A_115 = tpu.vector_load %arg9[%get3A_113, %get3A_114] {strides = array<i32>} : memref<1x128xf32, #tpu.memory_space<vmem>>, vector<1x16xf32>,
    %get3A_116 = vector.shape_cast %get3A_115 : vector<1x16xf32> to vector<16xf32>
    %get3A_117 = arith.constant 0 : i32
    %get3A_118 = arith.index_cast %get3A_117 : i32 to index
    %get3A_119 = arith.constant 112 : index
    %get3A_120 = tpu.vector_load %arg9[%get3A_118, %get3A_119] {strides = array<i32>} : memref<1x128xf32, #tpu.memory_space<vmem>>, vector<1x16xf32>,
    %get3A_121 = vector.shape_cast %get3A_120 : vector<1x16xf32> to vector<16xf32>
    %dma_wait3A_122 = arith.constant 0 : i32
    %dma_wait3A_123 = arith.constant 0 : i32
    %dma_wait3A_124 = arith.constant 0 : i32
    %dma_wait3A_125 = tpu.memref_slice %arg10[%dma_wait3A_122, %dma_wait3A_123, %dma_wait3A_124] : memref<2x256x128xf32, #tpu.memory_space<vmem>> -> memref<1x256x128xf32, #tpu.memory_space<vmem>>
    %dma_wait3A_126 = tpu.memref_squeeze %dma_wait3A_125 : memref<1x256x128xf32, #tpu.memory_space<vmem>> -> memref<256x128xf32, #tpu.memory_space<vmem>>
    %dma_wait3A_127 = arith.constant 0 : i32
    %dma_wait3A_128 = tpu.memref_slice %arg2[%add3A_4, %dma_wait3A_127] : memref<16384x128xf32, #tpu.memory_space<hbm>> -> memref<256x128xf32, #tpu.memory_space<hbm>>
    %dma_wait3A_129 = arith.constant 0 : i32
    %dma_wait3A_130 = arith.constant 0 : i32
    %dma_wait3A_131 = tpu.memref_slice %arg10[%dma_wait3A_122, %dma_wait3A_129, %dma_wait3A_130] : memref<2x256x128xf32, #tpu.memory_space<vmem>> -> memref<1x256x128xf32, #tpu.memory_space<vmem>>
    %dma_wait3A_132 = tpu.memref_squeeze %dma_wait3A_131 : memref<1x256x128xf32, #tpu.memory_space<vmem>> -> memref<256x128xf32, #tpu.memory_space<vmem>>
    %dma_wait3A_133 = arith.constant 0 : i32
    %dma_wait3A_134 = tpu.memref_slice %arg2[%add3A_4, %dma_wait3A_133] : memref<16384x128xf32, #tpu.memory_space<hbm>> -> memref<256x128xf32, #tpu.memory_space<hbm>>
    tpu.wait_dma2 semaphore(%arg12 : memref<!tpu.dma_semaphore, #tpu.memory_space<semaphore_mem>>) src(%dma_wait3A_134 : memref<256x128xf32, #tpu.memory_space<hbm>>) dst(%dma_wait3A_132 : memref<256x128xf32, #tpu.memory_space<vmem>>)
    %scan3A = arith.constant 0 : i32
    %scan3A_135 = arith.constant 0 : i32
    %scan3A_136 = arith.constant 0 : i32
    %scan3A_137 = arith.constant 0 : i32
    %scan3A_138 = arith.constant 256 : i32
    %scan3A_139 = arith.addi %scan3A_137, %scan3A_138 : i32
    %scan3A_140 = arith.constant 1 : i32
    scf.for %scan3A_219 = %scan3A_137 to %scan3A_139 step %scan3A_140  : i32 {
      %get3A_220 = arith.constant 0 : i32
      %get3A_221 = arith.constant 0 : i32
      %get3A_222 = tpu.memref_slice %arg10[%scan3A_135, %get3A_220, %get3A_221] : memref<2x256x128xf32, #tpu.memory_space<vmem>> -> memref<1x256x128xf32, #tpu.memory_space<vmem>>
      %get3A_223 = tpu.memref_squeeze %get3A_222 : memref<1x256x128xf32, #tpu.memory_space<vmem>> -> memref<256x128xf32, #tpu.memory_space<vmem>>
      %get3A_224 = arith.index_cast %scan3A_219 : i32 to index
      %get3A_225 = arith.constant 0 : index
      %get3A_226 = tpu.vector_load %get3A_223[%get3A_224, %get3A_225] {strides = array<i32>} : memref<256x128xf32, #tpu.memory_space<vmem>>, vector<1x16xf32>,
      %get3A_227 = vector.shape_cast %get3A_226 : vector<1x16xf32> to vector<16xf32>
      %mul3A_228 = arith.mulf %get3A_227, %get3A_46 : vector<16xf32>
      %add3A_229 = arith.addf %mul3A_228, %get3A_86 : vector<16xf32>
      %max3A = arith.constant 0.000000e+00 : f32
      %max3A_230 = vector.broadcast %max3A : f32 to vector<16xf32>
      %max3A_231 = arith.maximumf %add3A_229, %max3A_230 : vector<16xf32>
      %swap3A = arith.constant 0 : i32
      %swap3A_232 = arith.constant 0 : i32
      %swap3A_233 = tpu.memref_slice %arg10[%scan3A_136, %swap3A, %swap3A_232] : memref<2x256x128xf32, #tpu.memory_space<vmem>> -> memref<1x256x128xf32, #tpu.memory_space<vmem>>
      %swap3A_234 = tpu.memref_squeeze %swap3A_233 : memref<1x256x128xf32, #tpu.memory_space<vmem>> -> memref<256x128xf32, #tpu.memory_space<vmem>>
      %swap3A_235 = arith.index_cast %scan3A_219 : i32 to index
      %swap3A_236 = arith.constant 0 : index
      %swap3A_237 = tpu.vector_load %swap3A_234[%swap3A_235, %swap3A_236] {strides = array<i32>} : memref<256x128xf32, #tpu.memory_space<vmem>>, vector<1x16xf32>,
      %swap3A_238 = vector.shape_cast %swap3A_237 : vector<1x16xf32> to vector<16xf32>
      %swap3A_239 = vector.shape_cast %max3A_231 : vector<16xf32> to vector<1x16xf32>
      tpu.vector_store %swap3A_234[%swap3A_235, %swap3A_236], %swap3A_239 {strides = array<i32>} : memref<256x128xf32, #tpu.memory_space<vmem>>, vector<1x16xf32>,
      %get3A_240 = arith.constant 0 : i32
      %get3A_241 = arith.constant 0 : i32
      %get3A_242 = tpu.memref_slice %arg10[%scan3A_135, %get3A_240, %get3A_241] : memref<2x256x128xf32, #tpu.memory_space<vmem>> -> memref<1x256x128xf32, #tpu.memory_space<vmem>>
      %get3A_243 = tpu.memref_squeeze %get3A_242 : memref<1x256x128xf32, #tpu.memory_space<vmem>> -> memref<256x128xf32, #tpu.memory_space<vmem>>
      %get3A_244 = arith.index_cast %scan3A_219 : i32 to index
      %get3A_245 = arith.constant 16 : index
      %get3A_246 = tpu.vector_load %get3A_243[%get3A_244, %get3A_245] {strides = array<i32>} : memref<256x128xf32, #tpu.memory_space<vmem>>, vector<1x16xf32>,
      %get3A_247 = vector.shape_cast %get3A_246 : vector<1x16xf32> to vector<16xf32>
      %mul3A_248 = arith.mulf %get3A_247, %get3A_51 : vector<16xf32>
      %add3A_249 = arith.addf %mul3A_248, %get3A_91 : vector<16xf32>
      %max3A_250 = arith.constant 0.000000e+00 : f32
      %max3A_251 = vector.broadcast %max3A_250 : f32 to vector<16xf32>
      %max3A_252 = arith.maximumf %add3A_249, %max3A_251 : vector<16xf32>
      %swap3A_253 = arith.constant 0 : i32
      %swap3A_254 = arith.constant 0 : i32
      %swap3A_255 = tpu.memref_slice %arg10[%scan3A_136, %swap3A_253, %swap3A_254] : memref<2x256x128xf32, #tpu.memory_space<vmem>> -> memref<1x256x128xf32, #tpu.memory_space<vmem>>
      %swap3A_256 = tpu.memref_squeeze %swap3A_255 : memref<1x256x128xf32, #tpu.memory_space<vmem>> -> memref<256x128xf32, #tpu.memory_space<vmem>>
      %swap3A_257 = arith.index_cast %scan3A_219 : i32 to index
      %swap3A_258 = arith.constant 16 : index
      %swap3A_259 = tpu.vector_load %swap3A_256[%swap3A_257, %swap3A_258] {strides = array<i32>} : memref<256x128xf32, #tpu.memory_space<vmem>>, vector<1x16xf32>,
      %swap3A_260 = vector.shape_cast %swap3A_259 : vector<1x16xf32> to vector<16xf32>
      %swap3A_261 = vector.shape_cast %max3A_252 : vector<16xf32> to vector<1x16xf32>
      tpu.vector_store %swap3A_256[%swap3A_257, %swap3A_258], %swap3A_261 {strides = array<i32>} : memref<256x128xf32, #tpu.memory_space<vmem>>, vector<1x16xf32>,
      %get3A_262 = arith.constant 0 : i32
      %get3A_263 = arith.constant 0 : i32
      %get3A_264 = tpu.memref_slice %arg10[%scan3A_135, %get3A_262, %get3A_263] : memref<2x256x128xf32, #tpu.memory_space<vmem>> -> memref<1x256x128xf32, #tpu.memory_space<vmem>>
      %get3A_265 = tpu.memref_squeeze %get3A_264 : memref<1x256x128xf32, #tpu.memory_space<vmem>> -> memref<256x128xf32, #tpu.memory_space<vmem>>
      %get3A_266 = arith.index_cast %scan3A_219 : i32 to index
      %get3A_267 = arith.constant 32 : index
      %get3A_268 = tpu.vector_load %get3A_265[%get3A_266, %get3A_267] {strides = array<i32>} : memref<256x128xf32, #tpu.memory_space<vmem>>, vector<1x16xf32>,
      %get3A_269 = vector.shape_cast %get3A_268 : vector<1x16xf32> to vector<16xf32>
      %mul3A_270 = arith.mulf %get3A_269, %get3A_56 : vector<16xf32>
      %add3A_271 = arith.addf %mul3A_270, %get3A_96 : vector<16xf32>
      %max3A_272 = arith.constant 0.000000e+00 : f32
      %max3A_273 = vector.broadcast %max3A_272 : f32 to vector<16xf32>
      %max3A_274 = arith.maximumf %add3A_271, %max3A_273 : vector<16xf32>
      %swap3A_275 = arith.constant 0 : i32
      %swap3A_276 = arith.constant 0 : i32
      %swap3A_277 = tpu.memref_slice %arg10[%scan3A_136, %swap3A_275, %swap3A_276] : memref<2x256x128xf32, #tpu.memory_space<vmem>> -> memref<1x256x128xf32, #tpu.memory_space<vmem>>
      %swap3A_278 = tpu.memref_squeeze %swap3A_277 : memref<1x256x128xf32, #tpu.memory_space<vmem>> -> memref<256x128xf32, #tpu.memory_space<vmem>>
      %swap3A_279 = arith.index_cast %scan3A_219 : i32 to index
      %swap3A_280 = arith.constant 32 : index
      %swap3A_281 = tpu.vector_load %swap3A_278[%swap3A_279, %swap3A_280] {strides = array<i32>} : memref<256x128xf32, #tpu.memory_space<vmem>>, vector<1x16xf32>,
      %swap3A_282 = vector.shape_cast %swap3A_281 : vector<1x16xf32> to vector<16xf32>
      %swap3A_283 = vector.shape_cast %max3A_274 : vector<16xf32> to vector<1x16xf32>
      tpu.vector_store %swap3A_278[%swap3A_279, %swap3A_280], %swap3A_283 {strides = array<i32>} : memref<256x128xf32, #tpu.memory_space<vmem>>, vector<1x16xf32>,
      %get3A_284 = arith.constant 0 : i32
      %get3A_285 = arith.constant 0 : i32
      %get3A_286 = tpu.memref_slice %arg10[%scan3A_135, %get3A_284, %get3A_285] : memref<2x256x128xf32, #tpu.memory_space<vmem>> -> memref<1x256x128xf32, #tpu.memory_space<vmem>>
      %get3A_287 = tpu.memref_squeeze %get3A_286 : memref<1x256x128xf32, #tpu.memory_space<vmem>> -> memref<256x128xf32, #tpu.memory_space<vmem>>
      %get3A_288 = arith.index_cast %scan3A_219 : i32 to index
      %get3A_289 = arith.constant 48 : index
      %get3A_290 = tpu.vector_load %get3A_287[%get3A_288, %get3A_289] {strides = array<i32>} : memref<256x128xf32, #tpu.memory_space<vmem>>, vector<1x16xf32>,
      %get3A_291 = vector.shape_cast %get3A_290 : vector<1x16xf32> to vector<16xf32>
      %mul3A_292 = arith.mulf %get3A_291, %get3A_61 : vector<16xf32>
      %add3A_293 = arith.addf %mul3A_292, %get3A_101 : vector<16xf32>
      %max3A_294 = arith.constant 0.000000e+00 : f32
      %max3A_295 = vector.broadcast %max3A_294 : f32 to vector<16xf32>
      %max3A_296 = arith.maximumf %add3A_293, %max3A_295 : vector<16xf32>
      %swap3A_297 = arith.constant 0 : i32
      %swap3A_298 = arith.constant 0 : i32
      %swap3A_299 = tpu.memref_slice %arg10[%scan3A_136, %swap3A_297, %swap3A_298] : memref<2x256x128xf32, #tpu.memory_space<vmem>> -> memref<1x256x128xf32, #tpu.memory_space<vmem>>
      %swap3A_300 = tpu.memref_squeeze %swap3A_299 : memref<1x256x128xf32, #tpu.memory_space<vmem>> -> memref<256x128xf32, #tpu.memory_space<vmem>>
      %swap3A_301 = arith.index_cast %scan3A_219 : i32 to index
      %swap3A_302 = arith.constant 48 : index
      %swap3A_303 = tpu.vector_load %swap3A_300[%swap3A_301, %swap3A_302] {strides = array<i32>} : memref<256x128xf32, #tpu.memory_space<vmem>>, vector<1x16xf32>,
      %swap3A_304 = vector.shape_cast %swap3A_303 : vector<1x16xf32> to vector<16xf32>
      %swap3A_305 = vector.shape_cast %max3A_296 : vector<16xf32> to vector<1x16xf32>
      tpu.vector_store %swap3A_300[%swap3A_301, %swap3A_302], %swap3A_305 {strides = array<i32>} : memref<256x128xf32, #tpu.memory_space<vmem>>, vector<1x16xf32>,
      %get3A_306 = arith.constant 0 : i32
      %get3A_307 = arith.constant 0 : i32
      %get3A_308 = tpu.memref_slice %arg10[%scan3A_135, %get3A_306, %get3A_307] : memref<2x256x128xf32, #tpu.memory_space<vmem>> -> memref<1x256x128xf32, #tpu.memory_space<vmem>>
      %get3A_309 = tpu.memref_squeeze %get3A_308 : memref<1x256x128xf32, #tpu.memory_space<vmem>> -> memref<256x128xf32, #tpu.memory_space<vmem>>
      %get3A_310 = arith.index_cast %scan3A_219 : i32 to index
      %get3A_311 = arith.constant 64 : index
      %get3A_312 = tpu.vector_load %get3A_309[%get3A_310, %get3A_311] {strides = array<i32>} : memref<256x128xf32, #tpu.memory_space<vmem>>, vector<1x16xf32>,
      %get3A_313 = vector.shape_cast %get3A_312 : vector<1x16xf32> to vector<16xf32>
      %mul3A_314 = arith.mulf %get3A_313, %get3A_66 : vector<16xf32>
      %add3A_315 = arith.addf %mul3A_314, %get3A_106 : vector<16xf32>
      %max3A_316 = arith.constant 0.000000e+00 : f32
      %max3A_317 = vector.broadcast %max3A_316 : f32 to vector<16xf32>
      %max3A_318 = arith.maximumf %add3A_315, %max3A_317 : vector<16xf32>
      %swap3A_319 = arith.constant 0 : i32
      %swap3A_320 = arith.constant 0 : i32
      %swap3A_321 = tpu.memref_slice %arg10[%scan3A_136, %swap3A_319, %swap3A_320] : memref<2x256x128xf32, #tpu.memory_space<vmem>> -> memref<1x256x128xf32, #tpu.memory_space<vmem>>
      %swap3A_322 = tpu.memref_squeeze %swap3A_321 : memref<1x256x128xf32, #tpu.memory_space<vmem>> -> memref<256x128xf32, #tpu.memory_space<vmem>>
      %swap3A_323 = arith.index_cast %scan3A_219 : i32 to index
      %swap3A_324 = arith.constant 64 : index
      %swap3A_325 = tpu.vector_load %swap3A_322[%swap3A_323, %swap3A_324] {strides = array<i32>} : memref<256x128xf32, #tpu.memory_space<vmem>>, vector<1x16xf32>,
      %swap3A_326 = vector.shape_cast %swap3A_325 : vector<1x16xf32> to vector<16xf32>
      %swap3A_327 = vector.shape_cast %max3A_318 : vector<16xf32> to vector<1x16xf32>
      tpu.vector_store %swap3A_322[%swap3A_323, %swap3A_324], %swap3A_327 {strides = array<i32>} : memref<256x128xf32, #tpu.memory_space<vmem>>, vector<1x16xf32>,
      %get3A_328 = arith.constant 0 : i32
      %get3A_329 = arith.constant 0 : i32
      %get3A_330 = tpu.memref_slice %arg10[%scan3A_135, %get3A_328, %get3A_329] : memref<2x256x128xf32, #tpu.memory_space<vmem>> -> memref<1x256x128xf32, #tpu.memory_space<vmem>>
      %get3A_331 = tpu.memref_squeeze %get3A_330 : memref<1x256x128xf32, #tpu.memory_space<vmem>> -> memref<256x128xf32, #tpu.memory_space<vmem>>
      %get3A_332 = arith.index_cast %scan3A_219 : i32 to index
      %get3A_333 = arith.constant 80 : index
      %get3A_334 = tpu.vector_load %get3A_331[%get3A_332, %get3A_333] {strides = array<i32>} : memref<256x128xf32, #tpu.memory_space<vmem>>, vector<1x16xf32>,
      %get3A_335 = vector.shape_cast %get3A_334 : vector<1x16xf32> to vector<16xf32>
      %mul3A_336 = arith.mulf %get3A_335, %get3A_71 : vector<16xf32>
      %add3A_337 = arith.addf %mul3A_336, %get3A_111 : vector<16xf32>
      %max3A_338 = arith.constant 0.000000e+00 : f32
      %max3A_339 = vector.broadcast %max3A_338 : f32 to vector<16xf32>
      %max3A_340 = arith.maximumf %add3A_337, %max3A_339 : vector<16xf32>
      %swap3A_341 = arith.constant 0 : i32
      %swap3A_342 = arith.constant 0 : i32
      %swap3A_343 = tpu.memref_slice %arg10[%scan3A_136, %swap3A_341, %swap3A_342] : memref<2x256x128xf32, #tpu.memory_space<vmem>> -> memref<1x256x128xf32, #tpu.memory_space<vmem>>
      %swap3A_344 = tpu.memref_squeeze %swap3A_343 : memref<1x256x128xf32, #tpu.memory_space<vmem>> -> memref<256x128xf32, #tpu.memory_space<vmem>>
      %swap3A_345 = arith.index_cast %scan3A_219 : i32 to index
      %swap3A_346 = arith.constant 80 : index
      %swap3A_347 = tpu.vector_load %swap3A_344[%swap3A_345, %swap3A_346] {strides = array<i32>} : memref<256x128xf32, #tpu.memory_space<vmem>>, vector<1x16xf32>,
      %swap3A_348 = vector.shape_cast %swap3A_347 : vector<1x16xf32> to vector<16xf32>
      %swap3A_349 = vector.shape_cast %max3A_340 : vector<16xf32> to vector<1x16xf32>
      tpu.vector_store %swap3A_344[%swap3A_345, %swap3A_346], %swap3A_349 {strides = array<i32>} : memref<256x128xf32, #tpu.memory_space<vmem>>, vector<1x16xf32>,
      %get3A_350 = arith.constant 0 : i32
      %get3A_351 = arith.constant 0 : i32
      %get3A_352 = tpu.memref_slice %arg10[%scan3A_135, %get3A_350, %get3A_351] : memref<2x256x128xf32, #tpu.memory_space<vmem>> -> memref<1x256x128xf32, #tpu.memory_space<vmem>>
      %get3A_353 = tpu.memref_squeeze %get3A_352 : memref<1x256x128xf32, #tpu.memory_space<vmem>> -> memref<256x128xf32, #tpu.memory_space<vmem>>
      %get3A_354 = arith.index_cast %scan3A_219 : i32 to index
      %get3A_355 = arith.constant 96 : index
      %get3A_356 = tpu.vector_load %get3A_353[%get3A_354, %get3A_355] {strides = array<i32>} : memref<256x128xf32, #tpu.memory_space<vmem>>, vector<1x16xf32>,
      %get3A_357 = vector.shape_cast %get3A_356 : vector<1x16xf32> to vector<16xf32>
      %mul3A_358 = arith.mulf %get3A_357, %get3A_76 : vector<16xf32>
      %add3A_359 = arith.addf %mul3A_358, %get3A_116 : vector<16xf32>
      %max3A_360 = arith.constant 0.000000e+00 : f32
      %max3A_361 = vector.broadcast %max3A_360 : f32 to vector<16xf32>
      %max3A_362 = arith.maximumf %add3A_359, %max3A_361 : vector<16xf32>
      %swap3A_363 = arith.constant 0 : i32
      %swap3A_364 = arith.constant 0 : i32
      %swap3A_365 = tpu.memref_slice %arg10[%scan3A_136, %swap3A_363, %swap3A_364] : memref<2x256x128xf32, #tpu.memory_space<vmem>> -> memref<1x256x128xf32, #tpu.memory_space<vmem>>
      %swap3A_366 = tpu.memref_squeeze %swap3A_365 : memref<1x256x128xf32, #tpu.memory_space<vmem>> -> memref<256x128xf32, #tpu.memory_space<vmem>>
      %swap3A_367 = arith.index_cast %scan3A_219 : i32 to index
      %swap3A_368 = arith.constant 96 : index
      %swap3A_369 = tpu.vector_load %swap3A_366[%swap3A_367, %swap3A_368] {strides = array<i32>} : memref<256x128xf32, #tpu.memory_space<vmem>>, vector<1x16xf32>,
      %swap3A_370 = vector.shape_cast %swap3A_369 : vector<1x16xf32> to vector<16xf32>
      %swap3A_371 = vector.shape_cast %max3A_362 : vector<16xf32> to vector<1x16xf32>
      tpu.vector_store %swap3A_366[%swap3A_367, %swap3A_368], %swap3A_371 {strides = array<i32>} : memref<256x128xf32, #tpu.memory_space<vmem>>, vector<1x16xf32>,
      %get3A_372 = arith.constant 0 : i32
      %get3A_373 = arith.constant 0 : i32
      %get3A_374 = tpu.memref_slice %arg10[%scan3A_135, %get3A_372, %get3A_373] : memref<2x256x128xf32, #tpu.memory_space<vmem>> -> memref<1x256x128xf32, #tpu.memory_space<vmem>>
      %get3A_375 = tpu.memref_squeeze %get3A_374 : memref<1x256x128xf32, #tpu.memory_space<vmem>> -> memref<256x128xf32, #tpu.memory_space<vmem>>
      %get3A_376 = arith.index_cast %scan3A_219 : i32 to index
      %get3A_377 = arith.constant 112 : index
      %get3A_378 = tpu.vector_load %get3A_375[%get3A_376, %get3A_377] {strides = array<i32>} : memref<256x128xf32, #tpu.memory_space<vmem>>, vector<1x16xf32>,
      %get3A_379 = vector.shape_cast %get3A_378 : vector<1x16xf32> to vector<16xf32>
      %mul3A_380 = arith.mulf %get3A_379, %get3A_81 : vector<16xf32>
      %add3A_381 = arith.addf %mul3A_380, %get3A_121 : vector<16xf32>
      %max3A_382 = arith.constant 0.000000e+00 : f32
      %max3A_383 = vector.broadcast %max3A_382 : f32 to vector<16xf32>
      %max3A_384 = arith.maximumf %add3A_381, %max3A_383 : vector<16xf32>
      %swap3A_385 = arith.constant 0 : i32
      %swap3A_386 = arith.constant 0 : i32
      %swap3A_387 = tpu.memref_slice %arg10[%scan3A_136, %swap3A_385, %swap3A_386] : memref<2x256x128xf32, #tpu.memory_space<vmem>> -> memref<1x256x128xf32, #tpu.memory_space<vmem>>
      %swap3A_388 = tpu.memref_squeeze %swap3A_387 : memref<1x256x128xf32, #tpu.memory_space<vmem>> -> memref<256x128xf32, #tpu.memory_space<vmem>>
      %swap3A_389 = arith.index_cast %scan3A_219 : i32 to index
      %swap3A_390 = arith.constant 112 : index
      %swap3A_391 = tpu.vector_load %swap3A_388[%swap3A_389, %swap3A_390] {strides = array<i32>} : memref<256x128xf32, #tpu.memory_space<vmem>>, vector<1x16xf32>,
      %swap3A_392 = vector.shape_cast %swap3A_391 : vector<1x16xf32> to vector<16xf32>
      %swap3A_393 = vector.shape_cast %max3A_384 : vector<16xf32> to vector<1x16xf32>
      tpu.vector_store %swap3A_388[%swap3A_389, %swap3A_390], %swap3A_393 {strides = array<i32>} : memref<256x128xf32, #tpu.memory_space<vmem>>, vector<1x16xf32>,
    }
    %scan3A_141 = arith.constant 256 : i32
    %add3A_142 = arith.constant 0 : i32
    %add3A_143 = arith.addi %mul3A_2, %add3A_142 : i32
    %dma_start3A_144 = arith.constant 0 : i32
    %dma_start3A_145 = arith.constant 0 : i32
    %dma_start3A_146 = arith.constant 0 : i32
    %dma_start3A_147 = tpu.memref_slice %arg10[%dma_start3A_144, %dma_start3A_145, %dma_start3A_146] : memref<2x256x128xf32, #tpu.memory_space<vmem>> -> memref<1x256x128xf32, #tpu.memory_space<vmem>>
    %dma_start3A_148 = tpu.memref_squeeze %dma_start3A_147 : memref<1x256x128xf32, #tpu.memory_space<vmem>> -> memref<256x128xf32, #tpu.memory_space<vmem>>
    %dma_start3A_149 = arith.constant 0 : i32
    %dma_start3A_150 = tpu.memref_slice %arg6[%add3A_143, %dma_start3A_149] : memref<16384x128xf32, #tpu.memory_space<hbm>> -> memref<256x128xf32, #tpu.memory_space<hbm>>
    %dma_start3A_151 = arith.constant 0 : i32
    %dma_start3A_152 = tpu.memref_slice %arg6[%add3A_143, %dma_start3A_151] : memref<16384x128xf32, #tpu.memory_space<hbm>> -> memref<256x128xf32, #tpu.memory_space<hbm>>
    %dma_start3A_153 = arith.constant 0 : i32
    %dma_start3A_154 = arith.constant 0 : i32
    %dma_start3A_155 = tpu.memref_slice %arg10[%dma_start3A_144, %dma_start3A_153, %dma_start3A_154] : memref<2x256x128xf32, #tpu.memory_space<vmem>> -> memref<1x256x128xf32, #tpu.memory_space<vmem>>
    %dma_start3A_156 = tpu.memref_squeeze %dma_start3A_155 : memref<1x256x128xf32, #tpu.memory_space<vmem>> -> memref<256x128xf32, #tpu.memory_space<vmem>>
    tpu.enqueue_dma source(%dma_start3A_156 : memref<256x128xf32, #tpu.memory_space<vmem>>) target(%dma_start3A_152 : memref<256x128xf32, #tpu.memory_space<hbm>>) target_semaphore(%arg14 : memref<!tpu.dma_semaphore, #tpu.memory_space<semaphore_mem>>)
    %dma_wait3A_157 = arith.constant 1 : i32
    %dma_wait3A_158 = arith.constant 0 : i32
    %dma_wait3A_159 = arith.constant 0 : i32
    %dma_wait3A_160 = tpu.memref_slice %arg10[%dma_wait3A_157, %dma_wait3A_158, %dma_wait3A_159] : memref<2x256x128xf32, #tpu.memory_space<vmem>> -> memref<1x256x128xf32, #tpu.memory_space<vmem>>
    %dma_wait3A_161 = tpu.memref_squeeze %dma_wait3A_160 : memref<1x256x128xf32, #tpu.memory_space<vmem>> -> memref<256x128xf32, #tpu.memory_space<vmem>>
    %dma_wait3A_162 = arith.constant 0 : i32
    %dma_wait3A_163 = tpu.memref_slice %arg2[%add3A_18, %dma_wait3A_162] : memref<16384x128xf32, #tpu.memory_space<hbm>> -> memref<256x128xf32, #tpu.memory_space<hbm>>
    %dma_wait3A_164 = arith.constant 0 : i32
    %dma_wait3A_165 = arith.constant 0 : i32
    %dma_wait3A_166 = tpu.memref_slice %arg10[%dma_wait3A_157, %dma_wait3A_164, %dma_wait3A_165] : memref<2x256x128xf32, #tpu.memory_space<vmem>> -> memref<1x256x128xf32, #tpu.memory_space<vmem>>
    %dma_wait3A_167 = tpu.memref_squeeze %dma_wait3A_166 : memref<1x256x128xf32, #tpu.memory_space<vmem>> -> memref<256x128xf32, #tpu.memory_space<vmem>>
    %dma_wait3A_168 = arith.constant 0 : i32
    %dma_wait3A_169 = tpu.memref_slice %arg2[%add3A_18, %dma_wait3A_168] : memref<16384x128xf32, #tpu.memory_space<hbm>> -> memref<256x128xf32, #tpu.memory_space<hbm>>
    tpu.wait_dma2 semaphore(%arg13 : memref<!tpu.dma_semaphore, #tpu.memory_space<semaphore_mem>>) src(%dma_wait3A_169 : memref<256x128xf32, #tpu.memory_space<hbm>>) dst(%dma_wait3A_167 : memref<256x128xf32, #tpu.memory_space<vmem>>)
    %scan3A_170 = arith.constant 0 : i32
    %scan3A_171 = arith.constant 1 : i32
    %scan3A_172 = arith.constant 1 : i32
    %scan3A_173 = arith.constant 0 : i32
    %scan3A_174 = arith.constant 256 : i32
    %scan3A_175 = arith.addi %scan3A_173, %scan3A_174 : i32
    %scan3A_176 = arith.constant 1 : i32
    scf.for %scan3A_219 = %scan3A_173 to %scan3A_175 step %scan3A_176  : i32 {
      %get3A_220 = arith.constant 0 : i32
      %get3A_221 = arith.constant 0 : i32
      %get3A_222 = tpu.memref_slice %arg10[%scan3A_171, %get3A_220, %get3A_221] : memref<2x256x128xf32, #tpu.memory_space<vmem>> -> memref<1x256x128xf32, #tpu.memory_space<vmem>>
      %get3A_223 = tpu.memref_squeeze %get3A_222 : memref<1x256x128xf32, #tpu.memory_space<vmem>> -> memref<256x128xf32, #tpu.memory_space<vmem>>
      %get3A_224 = arith.index_cast %scan3A_219 : i32 to index
      %get3A_225 = arith.constant 0 : index
      %get3A_226 = tpu.vector_load %get3A_223[%get3A_224, %get3A_225] {strides = array<i32>} : memref<256x128xf32, #tpu.memory_space<vmem>>, vector<1x16xf32>,
      %get3A_227 = vector.shape_cast %get3A_226 : vector<1x16xf32> to vector<16xf32>
      %mul3A_228 = arith.mulf %get3A_227, %get3A_46 : vector<16xf32>
      %add3A_229 = arith.addf %mul3A_228, %get3A_86 : vector<16xf32>
      %max3A = arith.constant 0.000000e+00 : f32
      %max3A_230 = vector.broadcast %max3A : f32 to vector<16xf32>
      %max3A_231 = arith.maximumf %add3A_229, %max3A_230 : vector<16xf32>
      %swap3A = arith.constant 0 : i32
      %swap3A_232 = arith.constant 0 : i32
      %swap3A_233 = tpu.memref_slice %arg10[%scan3A_172, %swap3A, %swap3A_232] : memref<2x256x128xf32, #tpu.memory_space<vmem>> -> memref<1x256x128xf32, #tpu.memory_space<vmem>>
      %swap3A_234 = tpu.memref_squeeze %swap3A_233 : memref<1x256x128xf32, #tpu.memory_space<vmem>> -> memref<256x128xf32, #tpu.memory_space<vmem>>
      %swap3A_235 = arith.index_cast %scan3A_219 : i32 to index
      %swap3A_236 = arith.constant 0 : index
      %swap3A_237 = tpu.vector_load %swap3A_234[%swap3A_235, %swap3A_236] {strides = array<i32>} : memref<256x128xf32, #tpu.memory_space<vmem>>, vector<1x16xf32>,
      %swap3A_238 = vector.shape_cast %swap3A_237 : vector<1x16xf32> to vector<16xf32>
      %swap3A_239 = vector.shape_cast %max3A_231 : vector<16xf32> to vector<1x16xf32>
      tpu.vector_store %swap3A_234[%swap3A_235, %swap3A_236], %swap3A_239 {strides = array<i32>} : memref<256x128xf32, #tpu.memory_space<vmem>>, vector<1x16xf32>,
      %get3A_240 = arith.constant 0 : i32
      %get3A_241 = arith.constant 0 : i32
      %get3A_242 = tpu.memref_slice %arg10[%scan3A_171, %get3A_240, %get3A_241] : memref<2x256x128xf32, #tpu.memory_space<vmem>> -> memref<1x256x128xf32, #tpu.memory_space<vmem>>
      %get3A_243 = tpu.memref_squeeze %get3A_242 : memref<1x256x128xf32, #tpu.memory_space<vmem>> -> memref<256x128xf32, #tpu.memory_space<vmem>>
      %get3A_244 = arith.index_cast %scan3A_219 : i32 to index
      %get3A_245 = arith.constant 16 : index
      %get3A_246 = tpu.vector_load %get3A_243[%get3A_244, %get3A_245] {strides = array<i32>} : memref<256x128xf32, #tpu.memory_space<vmem>>, vector<1x16xf32>,
      %get3A_247 = vector.shape_cast %get3A_246 : vector<1x16xf32> to vector<16xf32>
      %mul3A_248 = arith.mulf %get3A_247, %get3A_51 : vector<16xf32>
      %add3A_249 = arith.addf %mul3A_248, %get3A_91 : vector<16xf32>
      %max3A_250 = arith.constant 0.000000e+00 : f32
      %max3A_251 = vector.broadcast %max3A_250 : f32 to vector<16xf32>
      %max3A_252 = arith.maximumf %add3A_249, %max3A_251 : vector<16xf32>
      %swap3A_253 = arith.constant 0 : i32
      %swap3A_254 = arith.constant 0 : i32
      %swap3A_255 = tpu.memref_slice %arg10[%scan3A_172, %swap3A_253, %swap3A_254] : memref<2x256x128xf32, #tpu.memory_space<vmem>> -> memref<1x256x128xf32, #tpu.memory_space<vmem>>
      %swap3A_256 = tpu.memref_squeeze %swap3A_255 : memref<1x256x128xf32, #tpu.memory_space<vmem>> -> memref<256x128xf32, #tpu.memory_space<vmem>>
      %swap3A_257 = arith.index_cast %scan3A_219 : i32 to index
      %swap3A_258 = arith.constant 16 : index
      %swap3A_259 = tpu.vector_load %swap3A_256[%swap3A_257, %swap3A_258] {strides = array<i32>} : memref<256x128xf32, #tpu.memory_space<vmem>>, vector<1x16xf32>,
      %swap3A_260 = vector.shape_cast %swap3A_259 : vector<1x16xf32> to vector<16xf32>
      %swap3A_261 = vector.shape_cast %max3A_252 : vector<16xf32> to vector<1x16xf32>
      tpu.vector_store %swap3A_256[%swap3A_257, %swap3A_258], %swap3A_261 {strides = array<i32>} : memref<256x128xf32, #tpu.memory_space<vmem>>, vector<1x16xf32>,
      %get3A_262 = arith.constant 0 : i32
      %get3A_263 = arith.constant 0 : i32
      %get3A_264 = tpu.memref_slice %arg10[%scan3A_171, %get3A_262, %get3A_263] : memref<2x256x128xf32, #tpu.memory_space<vmem>> -> memref<1x256x128xf32, #tpu.memory_space<vmem>>
      %get3A_265 = tpu.memref_squeeze %get3A_264 : memref<1x256x128xf32, #tpu.memory_space<vmem>> -> memref<256x128xf32, #tpu.memory_space<vmem>>
      %get3A_266 = arith.index_cast %scan3A_219 : i32 to index
      %get3A_267 = arith.constant 32 : index
      %get3A_268 = tpu.vector_load %get3A_265[%get3A_266, %get3A_267] {strides = array<i32>} : memref<256x128xf32, #tpu.memory_space<vmem>>, vector<1x16xf32>,
      %get3A_269 = vector.shape_cast %get3A_268 : vector<1x16xf32> to vector<16xf32>
      %mul3A_270 = arith.mulf %get3A_269, %get3A_56 : vector<16xf32>
      %add3A_271 = arith.addf %mul3A_270, %get3A_96 : vector<16xf32>
      %max3A_272 = arith.constant 0.000000e+00 : f32
      %max3A_273 = vector.broadcast %max3A_272 : f32 to vector<16xf32>
      %max3A_274 = arith.maximumf %add3A_271, %max3A_273 : vector<16xf32>
      %swap3A_275 = arith.constant 0 : i32
      %swap3A_276 = arith.constant 0 : i32
      %swap3A_277 = tpu.memref_slice %arg10[%scan3A_172, %swap3A_275, %swap3A_276] : memref<2x256x128xf32, #tpu.memory_space<vmem>> -> memref<1x256x128xf32, #tpu.memory_space<vmem>>
      %swap3A_278 = tpu.memref_squeeze %swap3A_277 : memref<1x256x128xf32, #tpu.memory_space<vmem>> -> memref<256x128xf32, #tpu.memory_space<vmem>>
      %swap3A_279 = arith.index_cast %scan3A_219 : i32 to index
      %swap3A_280 = arith.constant 32 : index
      %swap3A_281 = tpu.vector_load %swap3A_278[%swap3A_279, %swap3A_280] {strides = array<i32>} : memref<256x128xf32, #tpu.memory_space<vmem>>, vector<1x16xf32>,
      %swap3A_282 = vector.shape_cast %swap3A_281 : vector<1x16xf32> to vector<16xf32>
      %swap3A_283 = vector.shape_cast %max3A_274 : vector<16xf32> to vector<1x16xf32>
      tpu.vector_store %swap3A_278[%swap3A_279, %swap3A_280], %swap3A_283 {strides = array<i32>} : memref<256x128xf32, #tpu.memory_space<vmem>>, vector<1x16xf32>,
      %get3A_284 = arith.constant 0 : i32
      %get3A_285 = arith.constant 0 : i32
      %get3A_286 = tpu.memref_slice %arg10[%scan3A_171, %get3A_284, %get3A_285] : memref<2x256x128xf32, #tpu.memory_space<vmem>> -> memref<1x256x128xf32, #tpu.memory_space<vmem>>
      %get3A_287 = tpu.memref_squeeze %get3A_286 : memref<1x256x128xf32, #tpu.memory_space<vmem>> -> memref<256x128xf32, #tpu.memory_space<vmem>>
      %get3A_288 = arith.index_cast %scan3A_219 : i32 to index
      %get3A_289 = arith.constant 48 : index
      %get3A_290 = tpu.vector_load %get3A_287[%get3A_288, %get3A_289] {strides = array<i32>} : memref<256x128xf32, #tpu.memory_space<vmem>>, vector<1x16xf32>,
      %get3A_291 = vector.shape_cast %get3A_290 : vector<1x16xf32> to vector<16xf32>
      %mul3A_292 = arith.mulf %get3A_291, %get3A_61 : vector<16xf32>
      %add3A_293 = arith.addf %mul3A_292, %get3A_101 : vector<16xf32>
      %max3A_294 = arith.constant 0.000000e+00 : f32
      %max3A_295 = vector.broadcast %max3A_294 : f32 to vector<16xf32>
      %max3A_296 = arith.maximumf %add3A_293, %max3A_295 : vector<16xf32>
      %swap3A_297 = arith.constant 0 : i32
      %swap3A_298 = arith.constant 0 : i32
      %swap3A_299 = tpu.memref_slice %arg10[%scan3A_172, %swap3A_297, %swap3A_298] : memref<2x256x128xf32, #tpu.memory_space<vmem>> -> memref<1x256x128xf32, #tpu.memory_space<vmem>>
      %swap3A_300 = tpu.memref_squeeze %swap3A_299 : memref<1x256x128xf32, #tpu.memory_space<vmem>> -> memref<256x128xf32, #tpu.memory_space<vmem>>
      %swap3A_301 = arith.index_cast %scan3A_219 : i32 to index
      %swap3A_302 = arith.constant 48 : index
      %swap3A_303 = tpu.vector_load %swap3A_300[%swap3A_301, %swap3A_302] {strides = array<i32>} : memref<256x128xf32, #tpu.memory_space<vmem>>, vector<1x16xf32>,
      %swap3A_304 = vector.shape_cast %swap3A_303 : vector<1x16xf32> to vector<16xf32>
      %swap3A_305 = vector.shape_cast %max3A_296 : vector<16xf32> to vector<1x16xf32>
      tpu.vector_store %swap3A_300[%swap3A_301, %swap3A_302], %swap3A_305 {strides = array<i32>} : memref<256x128xf32, #tpu.memory_space<vmem>>, vector<1x16xf32>,
      %get3A_306 = arith.constant 0 : i32
      %get3A_307 = arith.constant 0 : i32
      %get3A_308 = tpu.memref_slice %arg10[%scan3A_171, %get3A_306, %get3A_307] : memref<2x256x128xf32, #tpu.memory_space<vmem>> -> memref<1x256x128xf32, #tpu.memory_space<vmem>>
      %get3A_309 = tpu.memref_squeeze %get3A_308 : memref<1x256x128xf32, #tpu.memory_space<vmem>> -> memref<256x128xf32, #tpu.memory_space<vmem>>
      %get3A_310 = arith.index_cast %scan3A_219 : i32 to index
      %get3A_311 = arith.constant 64 : index
      %get3A_312 = tpu.vector_load %get3A_309[%get3A_310, %get3A_311] {strides = array<i32>} : memref<256x128xf32, #tpu.memory_space<vmem>>, vector<1x16xf32>,
      %get3A_313 = vector.shape_cast %get3A_312 : vector<1x16xf32> to vector<16xf32>
      %mul3A_314 = arith.mulf %get3A_313, %get3A_66 : vector<16xf32>
      %add3A_315 = arith.addf %mul3A_314, %get3A_106 : vector<16xf32>
      %max3A_316 = arith.constant 0.000000e+00 : f32
      %max3A_317 = vector.broadcast %max3A_316 : f32 to vector<16xf32>
      %max3A_318 = arith.maximumf %add3A_315, %max3A_317 : vector<16xf32>
      %swap3A_319 = arith.constant 0 : i32
      %swap3A_320 = arith.constant 0 : i32
      %swap3A_321 = tpu.memref_slice %arg10[%scan3A_172, %swap3A_319, %swap3A_320] : memref<2x256x128xf32, #tpu.memory_space<vmem>> -> memref<1x256x128xf32, #tpu.memory_space<vmem>>
      %swap3A_322 = tpu.memref_squeeze %swap3A_321 : memref<1x256x128xf32, #tpu.memory_space<vmem>> -> memref<256x128xf32, #tpu.memory_space<vmem>>
      %swap3A_323 = arith.index_cast %scan3A_219 : i32 to index
      %swap3A_324 = arith.constant 64 : index
      %swap3A_325 = tpu.vector_load %swap3A_322[%swap3A_323, %swap3A_324] {strides = array<i32>} : memref<256x128xf32, #tpu.memory_space<vmem>>, vector<1x16xf32>,
      %swap3A_326 = vector.shape_cast %swap3A_325 : vector<1x16xf32> to vector<16xf32>
      %swap3A_327 = vector.shape_cast %max3A_318 : vector<16xf32> to vector<1x16xf32>
      tpu.vector_store %swap3A_322[%swap3A_323, %swap3A_324], %swap3A_327 {strides = array<i32>} : memref<256x128xf32, #tpu.memory_space<vmem>>, vector<1x16xf32>,
      %get3A_328 = arith.constant 0 : i32
      %get3A_329 = arith.constant 0 : i32
      %get3A_330 = tpu.memref_slice %arg10[%scan3A_171, %get3A_328, %get3A_329] : memref<2x256x128xf32, #tpu.memory_space<vmem>> -> memref<1x256x128xf32, #tpu.memory_space<vmem>>
      %get3A_331 = tpu.memref_squeeze %get3A_330 : memref<1x256x128xf32, #tpu.memory_space<vmem>> -> memref<256x128xf32, #tpu.memory_space<vmem>>
      %get3A_332 = arith.index_cast %scan3A_219 : i32 to index
      %get3A_333 = arith.constant 80 : index
      %get3A_334 = tpu.vector_load %get3A_331[%get3A_332, %get3A_333] {strides = array<i32>} : memref<256x128xf32, #tpu.memory_space<vmem>>, vector<1x16xf32>,
      %get3A_335 = vector.shape_cast %get3A_334 : vector<1x16xf32> to vector<16xf32>
      %mul3A_336 = arith.mulf %get3A_335, %get3A_71 : vector<16xf32>
      %add3A_337 = arith.addf %mul3A_336, %get3A_111 : vector<16xf32>
      %max3A_338 = arith.constant 0.000000e+00 : f32
      %max3A_339 = vector.broadcast %max3A_338 : f32 to vector<16xf32>
      %max3A_340 = arith.maximumf %add3A_337, %max3A_339 : vector<16xf32>
      %swap3A_341 = arith.constant 0 : i32
      %swap3A_342 = arith.constant 0 : i32
      %swap3A_343 = tpu.memref_slice %arg10[%scan3A_172, %swap3A_341, %swap3A_342] : memref<2x256x128xf32, #tpu.memory_space<vmem>> -> memref<1x256x128xf32, #tpu.memory_space<vmem>>
      %swap3A_344 = tpu.memref_squeeze %swap3A_343 : memref<1x256x128xf32, #tpu.memory_space<vmem>> -> memref<256x128xf32, #tpu.memory_space<vmem>>
      %swap3A_345 = arith.index_cast %scan3A_219 : i32 to index
      %swap3A_346 = arith.constant 80 : index
      %swap3A_347 = tpu.vector_load %swap3A_344[%swap3A_345, %swap3A_346] {strides = array<i32>} : memref<256x128xf32, #tpu.memory_space<vmem>>, vector<1x16xf32>,
      %swap3A_348 = vector.shape_cast %swap3A_347 : vector<1x16xf32> to vector<16xf32>
      %swap3A_349 = vector.shape_cast %max3A_340 : vector<16xf32> to vector<1x16xf32>
      tpu.vector_store %swap3A_344[%swap3A_345, %swap3A_346], %swap3A_349 {strides = array<i32>} : memref<256x128xf32, #tpu.memory_space<vmem>>, vector<1x16xf32>,
      %get3A_350 = arith.constant 0 : i32
      %get3A_351 = arith.constant 0 : i32
      %get3A_352 = tpu.memref_slice %arg10[%scan3A_171, %get3A_350, %get3A_351] : memref<2x256x128xf32, #tpu.memory_space<vmem>> -> memref<1x256x128xf32, #tpu.memory_space<vmem>>
      %get3A_353 = tpu.memref_squeeze %get3A_352 : memref<1x256x128xf32, #tpu.memory_space<vmem>> -> memref<256x128xf32, #tpu.memory_space<vmem>>
      %get3A_354 = arith.index_cast %scan3A_219 : i32 to index
      %get3A_355 = arith.constant 96 : index
      %get3A_356 = tpu.vector_load %get3A_353[%get3A_354, %get3A_355] {strides = array<i32>} : memref<256x128xf32, #tpu.memory_space<vmem>>, vector<1x16xf32>,
      %get3A_357 = vector.shape_cast %get3A_356 : vector<1x16xf32> to vector<16xf32>
      %mul3A_358 = arith.mulf %get3A_357, %get3A_76 : vector<16xf32>
      %add3A_359 = arith.addf %mul3A_358, %get3A_116 : vector<16xf32>
      %max3A_360 = arith.constant 0.000000e+00 : f32
      %max3A_361 = vector.broadcast %max3A_360 : f32 to vector<16xf32>
      %max3A_362 = arith.maximumf %add3A_359, %max3A_361 : vector<16xf32>
      %swap3A_363 = arith.constant 0 : i32
      %swap3A_364 = arith.constant 0 : i32
      %swap3A_365 = tpu.memref_slice %arg10[%scan3A_172, %swap3A_363, %swap3A_364] : memref<2x256x128xf32, #tpu.memory_space<vmem>> -> memref<1x256x128xf32, #tpu.memory_space<vmem>>
      %swap3A_366 = tpu.memref_squeeze %swap3A_365 : memref<1x256x128xf32, #tpu.memory_space<vmem>> -> memref<256x128xf32, #tpu.memory_space<vmem>>
      %swap3A_367 = arith.index_cast %scan3A_219 : i32 to index
      %swap3A_368 = arith.constant 96 : index
      %swap3A_369 = tpu.vector_load %swap3A_366[%swap3A_367, %swap3A_368] {strides = array<i32>} : memref<256x128xf32, #tpu.memory_space<vmem>>, vector<1x16xf32>,
      %swap3A_370 = vector.shape_cast %swap3A_369 : vector<1x16xf32> to vector<16xf32>
      %swap3A_371 = vector.shape_cast %max3A_362 : vector<16xf32> to vector<1x16xf32>
      tpu.vector_store %swap3A_366[%swap3A_367, %swap3A_368], %swap3A_371 {strides = array<i32>} : memref<256x128xf32, #tpu.memory_space<vmem>>, vector<1x16xf32>,
      %get3A_372 = arith.constant 0 : i32
      %get3A_373 = arith.constant 0 : i32
      %get3A_374 = tpu.memref_slice %arg10[%scan3A_171, %get3A_372, %get3A_373] : memref<2x256x128xf32, #tpu.memory_space<vmem>> -> memref<1x256x128xf32, #tpu.memory_space<vmem>>
      %get3A_375 = tpu.memref_squeeze %get3A_374 : memref<1x256x128xf32, #tpu.memory_space<vmem>> -> memref<256x128xf32, #tpu.memory_space<vmem>>
      %get3A_376 = arith.index_cast %scan3A_219 : i32 to index
      %get3A_377 = arith.constant 112 : index
      %get3A_378 = tpu.vector_load %get3A_375[%get3A_376, %get3A_377] {strides = array<i32>} : memref<256x128xf32, #tpu.memory_space<vmem>>, vector<1x16xf32>,
      %get3A_379 = vector.shape_cast %get3A_378 : vector<1x16xf32> to vector<16xf32>
      %mul3A_380 = arith.mulf %get3A_379, %get3A_81 : vector<16xf32>
      %add3A_381 = arith.addf %mul3A_380, %get3A_121 : vector<16xf32>
      %max3A_382 = arith.constant 0.000000e+00 : f32
      %max3A_383 = vector.broadcast %max3A_382 : f32 to vector<16xf32>
      %max3A_384 = arith.maximumf %add3A_381, %max3A_383 : vector<16xf32>
      %swap3A_385 = arith.constant 0 : i32
      %swap3A_386 = arith.constant 0 : i32
      %swap3A_387 = tpu.memref_slice %arg10[%scan3A_172, %swap3A_385, %swap3A_386] : memref<2x256x128xf32, #tpu.memory_space<vmem>> -> memref<1x256x128xf32, #tpu.memory_space<vmem>>
      %swap3A_388 = tpu.memref_squeeze %swap3A_387 : memref<1x256x128xf32, #tpu.memory_space<vmem>> -> memref<256x128xf32, #tpu.memory_space<vmem>>
      %swap3A_389 = arith.index_cast %scan3A_219 : i32 to index
      %swap3A_390 = arith.constant 112 : index
      %swap3A_391 = tpu.vector_load %swap3A_388[%swap3A_389, %swap3A_390] {strides = array<i32>} : memref<256x128xf32, #tpu.memory_space<vmem>>, vector<1x16xf32>,
      %swap3A_392 = vector.shape_cast %swap3A_391 : vector<1x16xf32> to vector<16xf32>
      %swap3A_393 = vector.shape_cast %max3A_384 : vector<16xf32> to vector<1x16xf32>
      tpu.vector_store %swap3A_388[%swap3A_389, %swap3A_390], %swap3A_393 {strides = array<i32>} : memref<256x128xf32, #tpu.memory_space<vmem>>, vector<1x16xf32>,
    }
    %scan3A_177 = arith.constant 256 : i32
    %add3A_178 = arith.constant 256 : i32
    %add3A_179 = arith.addi %mul3A_2, %add3A_178 : i32
    %dma_start3A_180 = arith.constant 1 : i32
    %dma_start3A_181 = arith.constant 0 : i32
    %dma_start3A_182 = arith.constant 0 : i32
    %dma_start3A_183 = tpu.memref_slice %arg10[%dma_start3A_180, %dma_start3A_181, %dma_start3A_182] : memref<2x256x128xf32, #tpu.memory_space<vmem>> -> memref<1x256x128xf32, #tpu.memory_space<vmem>>
    %dma_start3A_184 = tpu.memref_squeeze %dma_start3A_183 : memref<1x256x128xf32, #tpu.memory_space<vmem>> -> memref<256x128xf32, #tpu.memory_space<vmem>>
    %dma_start3A_185 = arith.constant 0 : i32
    %dma_start3A_186 = tpu.memref_slice %arg6[%add3A_179, %dma_start3A_185] : memref<16384x128xf32, #tpu.memory_space<hbm>> -> memref<256x128xf32, #tpu.memory_space<hbm>>
    %dma_start3A_187 = arith.constant 0 : i32
    %dma_start3A_188 = tpu.memref_slice %arg6[%add3A_179, %dma_start3A_187] : memref<16384x128xf32, #tpu.memory_space<hbm>> -> memref<256x128xf32, #tpu.memory_space<hbm>>
    %dma_start3A_189 = arith.constant 0 : i32
    %dma_start3A_190 = arith.constant 0 : i32
    %dma_start3A_191 = tpu.memref_slice %arg10[%dma_start3A_180, %dma_start3A_189, %dma_start3A_190] : memref<2x256x128xf32, #tpu.memory_space<vmem>> -> memref<1x256x128xf32, #tpu.memory_space<vmem>>
    %dma_start3A_192 = tpu.memref_squeeze %dma_start3A_191 : memref<1x256x128xf32, #tpu.memory_space<vmem>> -> memref<256x128xf32, #tpu.memory_space<vmem>>
    tpu.enqueue_dma source(%dma_start3A_192 : memref<256x128xf32, #tpu.memory_space<vmem>>) target(%dma_start3A_188 : memref<256x128xf32, #tpu.memory_space<hbm>>) target_semaphore(%arg15 : memref<!tpu.dma_semaphore, #tpu.memory_space<semaphore_mem>>)
    %dma_wait3A_193 = arith.constant 0 : i32
    %dma_wait3A_194 = arith.constant 0 : i32
    %dma_wait3A_195 = arith.constant 0 : i32
    %dma_wait3A_196 = tpu.memref_slice %arg10[%dma_wait3A_193, %dma_wait3A_194, %dma_wait3A_195] : memref<2x256x128xf32, #tpu.memory_space<vmem>> -> memref<1x256x128xf32, #tpu.memory_space<vmem>>
    %dma_wait3A_197 = tpu.memref_squeeze %dma_wait3A_196 : memref<1x256x128xf32, #tpu.memory_space<vmem>> -> memref<256x128xf32, #tpu.memory_space<vmem>>
    %dma_wait3A_198 = arith.constant 0 : i32
    %dma_wait3A_199 = tpu.memref_slice %arg6[%add3A_143, %dma_wait3A_198] : memref<16384x128xf32, #tpu.memory_space<hbm>> -> memref<256x128xf32, #tpu.memory_space<hbm>>
    %dma_wait3A_200 = arith.constant 0 : i32
    %dma_wait3A_201 = tpu.memref_slice %arg6[%add3A_143, %dma_wait3A_200] : memref<16384x128xf32, #tpu.memory_space<hbm>> -> memref<256x128xf32, #tpu.memory_space<hbm>>
    %dma_wait3A_202 = arith.constant 0 : i32
    %dma_wait3A_203 = arith.constant 0 : i32
    %dma_wait3A_204 = tpu.memref_slice %arg10[%dma_wait3A_193, %dma_wait3A_202, %dma_wait3A_203] : memref<2x256x128xf32, #tpu.memory_space<vmem>> -> memref<1x256x128xf32, #tpu.memory_space<vmem>>
    %dma_wait3A_205 = tpu.memref_squeeze %dma_wait3A_204 : memref<1x256x128xf32, #tpu.memory_space<vmem>> -> memref<256x128xf32, #tpu.memory_space<vmem>>
    tpu.wait_dma2 semaphore(%arg14 : memref<!tpu.dma_semaphore, #tpu.memory_space<semaphore_mem>>) src(%dma_wait3A_205 : memref<256x128xf32, #tpu.memory_space<vmem>>) dst(%dma_wait3A_201 : memref<256x128xf32, #tpu.memory_space<hbm>>)
    %dma_wait3A_206 = arith.constant 1 : i32
    %dma_wait3A_207 = arith.constant 0 : i32
    %dma_wait3A_208 = arith.constant 0 : i32
    %dma_wait3A_209 = tpu.memref_slice %arg10[%dma_wait3A_206, %dma_wait3A_207, %dma_wait3A_208] : memref<2x256x128xf32, #tpu.memory_space<vmem>> -> memref<1x256x128xf32, #tpu.memory_space<vmem>>
    %dma_wait3A_210 = tpu.memref_squeeze %dma_wait3A_209 : memref<1x256x128xf32, #tpu.memory_space<vmem>> -> memref<256x128xf32, #tpu.memory_space<vmem>>
    %dma_wait3A_211 = arith.constant 0 : i32
    %dma_wait3A_212 = tpu.memref_slice %arg6[%add3A_179, %dma_wait3A_211] : memref<16384x128xf32, #tpu.memory_space<hbm>> -> memref<256x128xf32, #tpu.memory_space<hbm>>
    %dma_wait3A_213 = arith.constant 0 : i32
    %dma_wait3A_214 = tpu.memref_slice %arg6[%add3A_179, %dma_wait3A_213] : memref<16384x128xf32, #tpu.memory_space<hbm>> -> memref<256x128xf32, #tpu.memory_space<hbm>>
    %dma_wait3A_215 = arith.constant 0 : i32
    %dma_wait3A_216 = arith.constant 0 : i32
    %dma_wait3A_217 = tpu.memref_slice %arg10[%dma_wait3A_206, %dma_wait3A_215, %dma_wait3A_216] : memref<2x256x128xf32, #tpu.memory_space<vmem>> -> memref<1x256x128xf32, #tpu.memory_space<vmem>>
    %dma_wait3A_218 = tpu.memref_squeeze %dma_wait3A_217 : memref<1x256x128xf32, #tpu.memory_space<vmem>> -> memref<256x128xf32, #tpu.memory_space<vmem>>
    tpu.wait_dma2 semaphore(%arg15 : memref<!tpu.dma_semaphore, #tpu.memory_space<semaphore_mem>>) src(%dma_wait3A_218 : memref<256x128xf32, #tpu.memory_space<vmem>>) dst(%dma_wait3A_214 : memref<256x128xf32, #tpu.memory_space<hbm>>)
    return
  }
}

</mosaic_0001>

<sc_bundles>
// kernel: kernel.3.cloned.1.call-start
scs
__scs_entry_jumppad:
0x0: {  	(pc) =	sbr.rel $0x88, $3  }
0x1: {  	(tag) =	ssettag $0x0;
	lr =	simm.s32 $0x1  }
0x2: {  	[smem:$0x3F9D] =	sst lr;
	_ =	strace $0xD0000000  }
0x3: {  	_ = 	snop  }
0x4: {  	_ = 	snop  }
0x5: {  	_ = 	snop  }
0x6: {  	_ = 	snop  }
0x7: {  	_ = 	snop  }
__scs_overlays_trampoline_lowered:
0x8: {  	[smem:$0x3FAC] =	sst s0  }
0x9: {  	[smem:$0x3FAD] =	sst s1  }
0xa: {  	[smem:$0x3FAE] =	sst s2  }
0xb: {  	[smem:$0x3FAF] =	sst s3  }
0xc: {  	[smem:$0x3FB0] =	sst s4  }
0xd: {  	[smem:$0x3FB1] =	sst s5  }
0xe: {  	[smem:$0x3FB2] =	sst s6  }
0xf: {  	[smem:$0x3FB3] =	sst s7  }
0x10: {  	[smem:$0x3FB4] =	sst s8  }
0x11: {  	[smem:$0x3FB5] =	sst s9;
	s0 =	simm.s32 @!p0 $0x0  }
0x12: {  	s1 =	sld [smem:$0x3F9B];
	s0 =	simm.s32 @p0 $0x1  }
0x13: {  	[smem:$0x3FB6] =	sst s0;
	s0 =	simm.s32 @!p1 $0x0  }
0x14: {  	s2 =	sld [smem:$0x3F9A];
	s0 =	simm.s32 @p1 $0x1  }
0x15: {  	[smem:$0x3FB7] =	sst s0;
	s0 =	simm.s32 @!p2 $0x0  }
0x16: {  	s3 =	sld [smem:$0x3FDB];
	s0 =	simm.s32 @p2 $0x1  }
0x17: {  	s4 =	simm.s32 $0x1BF5;
	[smem:$0x3FB9] =	sst s0  }
0x18: {  	s0 =	sld [smem:$0x3F9C];
	_ =	swait.ge [sflag:s4], $0x0  }
0x19: {  	s7 =	sld [smem:$0x3F9D]  }
0x1a: {  	s8 =	sadd.s32 $0xFFFFE003, lr  }
0x1b: {  	s9 =	sadd.s32 $0xFFFFFEF7, lr;
	s5 =	simm.s32 $0xFFFFFFFF;
	p2 =	slt.u32 s8, $0xFFFFF086  }
0x1c: {  	p1 =	slt.u32 s9, $0xF7A;
	s5 =	simm.s32 @!p2 $0x0  }
0x1d: {  	s5 =	simm.s32 @p1 $0x1;
	p0 =	seq.s32 s7, s2  }
0x1e: {  	s7 =	smul.u32 @!p0 $0xF7A, s2;
	p2 =	seq.s32 @!p0 s5, $0x0  }
0x1f: {  	s9 =	smul.u32 $0xF7A, s1;
	s8 =	simm.s32 @!p0 $0x1BF5;
	p2 =	por !p2, p0  }
0x20: {  	[sflag:s8] =	ssyncset.s32 @!p0 $0xFFFFF086;
	s6 =	sadd.s32 @!p0 s3, s7;
	s7 =	simm.s32 @!p0 $0x108  }
0x21: {  	s3 =	sadd.s32 s3, s9;
	s6 =	sadd.s32 @!p0 $0x88, s6;
	s7 =	simm.s32 @p2 $0x1082  }
0x22: {  	[simem:s7], [sflag:s8] =	dma.local @!p0 [hbm:s6], $0xF7A  }
0x23: {  	s9 =	sor.u32 $0xD0000000, s2;
	s6 =	simm.s32 $0x108;
	_ =	swait.ge @!p0 [sflag:s8], $0x0  }
0x24: {  	s3 =	sadd.s32 $0x88, s3;
	s6 =	simm.s32 @!p1 $0x1082;
	[sflag:s4] =	ssyncset.s32 $0xFFFFF086  }
0x25: {  	[simem:s6], [sflag:s4] =	dma.local [hbm:s3], $0xF7A  }
0x26: {  	[smem:$0x3F9D] =	sst s1;
	(tag) =	ssettag s2;
	_ =	strace s9  }
0x27: {  	s1 =	sld [smem:$0x3FAD]  }
0x28: {  	s2 =	sld [smem:$0x3FAE]  }
0x29: {  	s4 =	sld [smem:$0x3FB0]  }
0x2a: {  	p0 =	seq.s32 s5, $0x0;
	s5 =	sld [smem:$0x3FB1]  }
0x2b: {  	s6 =	sld [smem:$0x3FB2]  }
0x2c: {  	s7 =	sld [smem:$0x3FB3]  }
0x2d: {  	s3 =	simm.s32 $0x108;
	s8 =	sld [smem:$0x3FB4]  }
0x2e: {  	s3 =	simm.s32 @!p0 $0x1082;
	s9 =	sld [smem:$0x3FB5]  }
0x2f: {  	lr =	sadd.s32 s0, s3;
	s0 =	sld [smem:$0x3FAC]  }
0x30: {  	s3 =	sld [smem:$0x3FAF]  }
0x31: {  	[smem:$0x3FB8] =	sst s10  }
0x32: {  	s10 =	sld [smem:$0x3FB6];
	_ =	sdelay $0x3  }
0x33: {  	p0 =	seq.s32 s10, $0x1;
	s10 =	sld [smem:$0x3FB8];
	_ =	sdelay $0x3  }
0x34: {  	[smem:$0x3FB8] =	sst s10  }
0x35: {  	s10 =	sld [smem:$0x3FB7];
	_ =	sdelay $0x3  }
0x36: {  	p1 =	seq.s32 s10, $0x1;
	s10 =	sld [smem:$0x3FB8];
	_ =	sdelay $0x3  }
0x37: {  	[smem:$0x3FB8] =	sst s10  }
0x38: {  	s10 =	sld [smem:$0x3FB9]  }
0x39: {  	_ = 	snop;
	(pc) =	sbr.ind lr, $3  }
0x3a: {  	_ = 	snop  }
0x3b: {  	_ = 	snop  }
0x3c: {  	p2 =	seq.s32 s10, $0x1;
	s10 =	sld [smem:$0x3FB8]  }
0x3d: {  	_ =	shalt  }
0x3e: {  	_ =	shalt  }
0x3f: {  	_ =	shalt  }
0x40: {  	_ =	shalt  }
0x41: {  	_ =	shalt  }
0x42: {  	_ =	shalt  }
0x43: {  	_ =	shalt  }
0x44: {  	_ =	shalt  }
0x45: {  	_ =	shalt  }
0x46: {  	_ =	shalt  }
0x47: {  	_ =	shalt  }
0x48: {  	_ =	shalt  }
0x49: {  	_ =	shalt  }
0x4a: {  	_ =	shalt  }
0x4b: {  	_ =	shalt  }
0x4c: {  	_ =	shalt  }
0x4d: {  	_ =	shalt  }
0x4e: {  	_ =	shalt  }
0x4f: {  	_ =	shalt  }
0x50: {  	_ =	shalt  }
0x51: {  	_ =	shalt  }
0x52: {  	_ =	shalt  }
0x53: {  	_ =	shalt  }
0x54: {  	_ =	shalt  }
0x55: {  	_ =	shalt  }
0x56: {  	_ =	shalt  }
0x57: {  	_ =	shalt  }
0x58: {  	_ =	shalt  }
0x59: {  	_ =	shalt  }
0x5a: {  	_ =	shalt  }
0x5b: {  	_ =	shalt  }
0x5c: {  	_ =	shalt  }
0x5d: {  	_ =	shalt  }
0x5e: {  	_ =	shalt  }
0x5f: {  	_ =	shalt  }
0x60: {  	_ =	shalt  }
0x61: {  	_ =	shalt  }
0x62: {  	_ =	shalt  }
0x63: {  	_ =	shalt  }
0x64: {  	_ =	shalt  }
0x65: {  	_ =	shalt  }
0x66: {  	_ =	shalt  }
0x67: {  	_ =	shalt  }
0x68: {  	_ =	shalt  }
0x69: {  	_ =	shalt  }
0x6a: {  	_ =	shalt  }
0x6b: {  	_ =	shalt  }
0x6c: {  	_ =	shalt  }
0x6d: {  	_ =	shalt  }
0x6e: {  	_ =	shalt  }
0x6f: {  	_ =	shalt  }
0x70: {  	_ =	shalt  }
0x71: {  	_ =	shalt  }
0x72: {  	_ =	shalt  }
0x73: {  	_ =	shalt  }
0x74: {  	_ =	shalt  }
0x75: {  	_ =	shalt  }
0x76: {  	_ =	shalt  }
0x77: {  	_ =	shalt  }
0x78: {  	_ =	shalt  }
0x79: {  	_ =	shalt  }
0x7a: {  	_ =	shalt  }
0x7b: {  	_ =	shalt  }
0x7c: {  	_ =	shalt  }
0x7d: {  	_ =	shalt  }
0x7e: {  	_ =	shalt  }
0x7f: {  	_ =	shalt  }
0x80: {  	_ =	shalt  }
0x81: {  	_ =	shalt  }
0x82: {  	_ =	shalt  }
0x83: {  	_ =	shalt  }
0x84: {  	_ =	shalt  }
0x85: {  	_ =	shalt  }
0x86: {  	_ =	shalt  }
0x87: {  	_ =	shalt  }
.Lfunc_end0:
.L_simem_size_0:
called_computation_lowered:
.L_overlay_start_0:
0x88: {  	s2 =	sld [smem:$0x3FD9]  }
0x89: {  	s3 =	sld [smem:$0x3FFE];
	_ =	sdelay $0x1  }
0x8a: {  	s1 =	srdreg.scid  }
0x8b: {  	s0 =	sand.u32 $0x1, s1  }
0x8c: {  	s18 =	sshll.u32 s0, $0xA;
	s2 =	sadd.s32 s3, s2  }
0x8d: {  	s2 =	sadd.s32 s2, s18  }
0x8e: {  	[smem:$0x3FC4] =	sst s2  }
0x8f: {  	_ = 	snop  }
0x90: {  	s2 =	sld [smem:$0x3FC9]  }
0x91: {  	s19 =	sld [smem:$0x3FC8]  }
0x92: {  	s4 =	sld [smem:$0x3FC7]  }
0x93: {  	s5 =	sld [smem:$0x3FC6]  }
0x94: {  	s6 =	sld [smem:$0x3FD0];
	(tm) =	ssettm $0x1  }
0x95: {  	s7 =	sld [smem:$0x3FFB];
	_ =	sdelay $0x3  }
0x96: {  	_ =	strace s7  }
0x97: {  	s7 =	sld [smem:$0x3FFC];
	_ =	sdelay $0x3  }
0x98: {  	_ =	strace s7  }
0x99: {  	s7 =	sld [smem:$0x3FFD];
	_ =	sdelay $0x3  }
0x9a: {  	_ =	strace s7  }
0x9b: {  	_ =	strace $0x8FFFFFFF  }
0x9c: {  	s20 =	sld [smem:$0x3FDB];
	_ =	sdelay $0x1  }
0x9d: {  	s8 =	simm.s32 $_scs_section_size  }
0x9e: {  	s9 =	simm.s32 $_size__tile_overlayer_lowered;
	s10 =	simm.s32 $_tile_overlayer_lowered  }
0x9f: {  	s23 =	simm.s32 $0x1BFF;
	s22 =	sshll.u32 s10, $0x1;
	s7 =	sadd.s32 s8, s20  }
0xa0: {  	s11 =	simm.s32 $0x0;
	s21 =	sshll.u32 s9, $0x1;
	s9 =	sadd.s32 s22, s7  }
0xa1: {  	[timem:s11], [sflag:s23] =	dma.local [hbm:s9], s21  }
0xa2: {  	_ =	swait.ge [sflag:s23], s21  }
0xa3: {  	s8 =	ssub.s32 $0x0, s21;
	[sflag:s23] =	ssyncset.done $0x0  }
0xa4: {  	[sflag:s23] =	ssyncadd.s32 s8;
	_ =	sdelay $0x1  }
0xa5: {  	s24 =	simm.s32 $0x1B8B  }
0xa6: {  	_ =	swait.ge [sflag:s24], $0x1  }
0xa7: {  	[sflag:s24] =	ssyncset.done $0x0  }
0xa8: {  	s25 =	simm.s32 $0x1B8E;
	[sflag:s24] =	ssyncadd.s32 $0xFFFFFFFF  }
0xa9: {  	s26 =	simm.s32 $execute0_lowered;
	[smem:$0x3FD2] =	sst s25  }
0xaa: {  	s8 =	sshll.u32 s26, $0x1;
	_ =	strace $0x80000046;
	[dreg:$0x1] =	wrdreg $0xFFFFFFFF  }
0xab: {  	s28 =	simm.s32 $_size_execute0_lowered;
	s7 =	sadd.s32 s7, s8;
	[dreg:$0x0] =	wrdreg $0x0  }
0xac: {  	s8 =	sshll.u32 s28, $0x1;
	[dreg:$0x2] =	wrdreg s7  }
0xad: {  	[dreg:$0x3] =	wrdreg s8  }
0xae: {  	[dreg:$0x4] =	wrdreg $0xC0  }
0xaf: {  	_ =	task [dreg:s11], $0x5FFFF  }
0xb0: {  	[dreg:$0x1] =	wrdreg $0xFFFFFFFF  }
0xb1: {  	[dreg:$0x0] =	wrdreg $0x60  }
0xb2: {  	[dreg:$0x2] =	wrdreg s2  }
0xb3: {  	[dreg:$0x3] =	wrdreg s19  }
0xb4: {  	[dreg:$0x4] =	wrdreg s4  }
0xb5: {  	[dreg:$0x5] =	wrdreg s5  }
0xb6: {  	[dreg:$0x6] =	wrdreg s6  }
0xb7: {  	[dreg:$0x7] =	wrdreg $0x9  }
0xb8: {  	_ =	task.clear_ibuf [dreg:s11], $0x8FFFF;
	_ =	strace $0x90000046  }
0xb9: {  	s29 =	simm.s32 $0x9;
	_ =	strace $0x80000048  }
0xba: {  	_ =	swait.ge [sflag:s29], $0x1  }
0xbb: {  	[sflag:s29] =	ssyncadd.s32 $0xFFFFFFFF  }
0xbc: {  	_ =	strace $0x90000048  }
0xbd: {  	_ =	sfence  }
0xbe: {  	s30 =	sld [smem:$0x0];
	_ =	sdelay $0x2  }
0xbf: {  	s31 =	sshll.u32 s1, $0xD;
	s1 =	sshrl.u32 s1, $0x2  }
0xc0: {  	s3 =	sand.u32 $0x4000, s31;
	s1 =	sadd.s32 s1, s30  }
0xc1: {  	s0 =	sor.u32 s3, s0;
	s1 =	sshll.u32 s1, $0x11  }
0xc2: {  	s0 =	sor.u32 s1, s0  }
0xc3: {  	s0 =	sadd.s32 $0x8F2B, s0  }
0xc4: {  	[sflag:s0] =	ssyncadd.remote.s32 $0x1  }
0xc5: {  	_ =	sfence.sel $0xFFFF  }
0xc6: {  	[dreg:$0x0] =	wrdreg $0xFFFFFFFF;
	(pc) =	sbr.abs _section_cstart, $3  }
0xc7: {  	[dreg:$0x1] =	wrdreg $0xFFFFFFFF  }
0xc8: {  	_ =	task.clear_ibuf [dreg:s11], $0x2FFFF;
	_ =	strace $0x9FFFFFFF  }
0xc9: {  	(tm) =	ssettm $0x7FFFFFFF  }
tec
execute0_lowered:
.L_overlay_start_1:
0x0: {  	(tag) =	ssettag $0x1  }
0x1: {  	s7 =	rddreg [dreg:$0x0]  }
0x2: {  	s1 =	rddreg [dreg:$0x1]  }
0x3: {  	s2 =	rddreg [dreg:$0x2]  }
0x4: {  	s3 =	rddreg [dreg:$0x3]  }
0x5: {  	s9 =	rddreg [dreg:$0x4]  }
0x6: {  	s0 =	rddreg [dreg:$0x5];
	s5 =	simm.s32 $0x0;
	s6 =	srdreg.scid  }
0x7: {  	s4 =	stileid.u32;
	s13 =	simm.s32 $0x6;
	s14 =	simm.s32 $0x1  }
0x8: {  	s15 =	simm.s32 $0x80;
	s16 =	simm.s32 $0x100;
	s17 =	simm.s32 $0x2  }
0x9: {  	s18 =	simm.s32 $0x3;
	s19 =	simm.s32 $0x4;
	s20 =	simm.s32 $0x5  }
0xa: {  	s21 =	simm.s32 $0x0;
	[smem:$0x7FF] =	sst s5;
	s6 =	sand.u32 $0x1, s6  }
0xb: {  	s10 =	sshll.u32 s4, $0xE;
	s8 =	ssub.s32 $0x2, s6;
	s6 =	sshll.u32 s6, $0xD  }
0xc: {  	_ =	strace $0x80000047;
	s11 =	sshrl.u32 s8, $0x1;
	s10 =	sor.u32 s6, s10  }
0xd: {  	s11 =	ssub.s32 s8, s11;
	s6 =	sadd.s32 s7, s10;
	s12 =	sor.u32 $0x1000, s10  }
0xe: {  	s8 =	sadd.s32 s9, s10;
	s7 =	sadd.s32 s7, s12;
	s9 =	sadd.s32 s9, s12  }
0xf: {  	s10 =	smax.u32 s11, $0x1;
	s11 =	simm.s32 $0x180;
	s12 =	simm.s32 $0x8180  }
.LBB2_1:
0x10: {  	[tilespmem:s11], [sflag:$0x2] =	stream.linear.gather [hbm4b:s6+s5], $0x8000, $0x38;
	[tilespmem:$0x10180] =	vst v63  }
0x11: {  	_ = 	snop  }
0x12: {  	[tilespmem:s12], [sflag:$0x3] =	stream.linear.gather [hbm4b:s7+s5], $0x8000, $0x38;
	[tilespmem:$0x10180] =	vst v63  }
0x13: {  	_ = 	snop  }
0x14: {  	[tilespmem:s5], [sflag:$0x6] =	stream.linear.gather [hbm4b:s1+s5], $0x80, $0x38;
	[tilespmem:$0x10180] =	vst v63  }
0x15: {  	_ =	swait.ge [sflag:s13], $0x80  }
0x16: {  	[sflag:s13] =	ssyncset.done $0x0  }
0x17: {  	[sflag:s13] =	ssyncadd.s32 $0xFFFFFF80  }
0x18: {  	[tilespmem:s15], [sflag:$0x1] =	stream.indirect.gather [hbm4b:s2+s14], $0x80, s5, s14, $0xb8;
	[tilespmem:$0x10180] =	vst v63  }
0x19: {  	_ =	swait.ge [sflag:s14], $0x80  }
0x1a: {  	[sflag:s14] =	ssyncset.done $0x0  }
0x1b: {  	[sflag:s14] =	ssyncadd.s32 $0xFFFFFF80  }
0x1c: {  	[tilespmem:s16], [sflag:$0x1] =	stream.indirect.gather [hbm4b:s3+s14], $0x80, s5, s14, $0xb8;
	[tilespmem:$0x10180] =	vst v63  }
0x1d: {  	_ =	swait.ge [sflag:s14], $0x80  }
0x1e: {  	[sflag:s14] =	ssyncset.done $0x0  }
0x1f: {  	[sflag:s14] =	ssyncadd.s32 $0xFFFFFF80  }
0x20: {  	v11 =	vld [tilespmem:$0x80]  }
0x21: {  	v12 =	vld [tilespmem:$0x90]  }
0x22: {  	v9 =	vld [tilespmem:$0xA0]  }
0x23: {  	v8 =	vld [tilespmem:$0xB0]  }
0x24: {  	v6 =	vld [tilespmem:$0xC0]  }
0x25: {  	v4 =	vld [tilespmem:$0xD0]  }
0x26: {  	v2 =	vld [tilespmem:$0xE0]  }
0x27: {  	v0 =	vld [tilespmem:$0xF0]  }
0x28: {  	v15 =	vld [tilespmem:$0x100]  }
0x29: {  	v14 =	vld [tilespmem:$0x110]  }
0x2a: {  	v13 =	vld [tilespmem:$0x120]  }
0x2b: {  	v10 =	vld [tilespmem:$0x130]  }
0x2c: {  	v7 =	vld [tilespmem:$0x140]  }
0x2d: {  	v5 =	vld [tilespmem:$0x150]  }
0x2e: {  	v3 =	vld [tilespmem:$0x160]  }
0x2f: {  	v1 =	vld [tilespmem:$0x170];
	_ =	swait.ge [sflag:s17], $0x8000  }
0x30: {  	[sflag:s17] =	ssyncset.done $0x0  }
0x31: {  	s22 =	simm.s32 $0x0;
	[sflag:s17] =	ssyncadd.s32 $0xFFFF8000  }
0x32: {  	v16 =	vld [tilespmem:s22+$0x180]  }
0x33: {  	v21 =	vld [tilespmem:s22+$0x190]  }
0x34: {  	v20 =	vld [tilespmem:s22+$0x1A0]  }
0x35: {  	v19 =	vld [tilespmem:s22+$0x1B0]  }
0x36: {  	v18 =	vld [tilespmem:s22+$0x1C0]  }
0x37: {  	v17 =	vld [tilespmem:s22+$0x1D0];
	v22 =	vmul.f32 v16, v11  }
0x38: {  	s23 =	simm.s32 $0x200;
	v21 =	vmul.f32 v21, v12;
	v16 =	vld [tilespmem:s22+$0x1E0]  }
.LBB2_2:
0x39: {  	p0 =	sne.s32 s23, $0x1FE00;
	v22 =	vadd.f32 v22, v15;
	v20 =	vmul.f32 v20, v9;
	v23 =	vld [tilespmem:s22+$0x1F0]  }
0x3a: {  	v21 =	vadd.f32 v21, v14;
	v19 =	vmul.f32 v19, v8  }
0x3b: {  	v22 =	vmax.f32 v22, $0.0e+00;
	v20 =	vadd.f32 v20, v13;
	v18 =	vmul.f32 v18, v6  }
0x3c: {  	s24 =	sshra.s32 s23, $0x2;
	[tilespmem:s22+$0x180] =	vst v22;
	v21 =	vmax.f32 v21, $0.0e+00;
	v19 =	vadd.f32 v19, v10;
	v17 =	vmul.f32 v17, v4  }
0x3d: {  	v22 =	vld [tilespmem:s24+$0x180];
	[tilespmem:s22+$0x190] =	vst v21;
	v20 =	vmax.f32 v20, $0.0e+00;
	v18 =	vadd.f32 v18, v7;
	v16 =	vmul.f32 v16, v2  }
0x3e: {  	v21 =	vld [tilespmem:s24+$0x190];
	[tilespmem:s22+$0x1A0] =	vst v20;
	v19 =	vmax.f32 v19, $0.0e+00;
	v17 =	vadd.f32 v17, v5;
	v23 =	vmul.f32 v23, v0  }
.Ltmp0:
0x3f: {  	v20 =	vld [tilespmem:s24+$0x1A0];
	[tilespmem:s22+$0x1B0] =	vst v19;
	v18 =	vmax.f32 v18, $0.0e+00;
	v16 =	vadd.f32 v16, v3;
	(pc) =	sbr.rel @p0 .LBB2_2-.Ltmp0, $4  }
0x40: {  	v19 =	vld [tilespmem:s24+$0x1B0];
	[tilespmem:s22+$0x1C0] =	vst v18;
	v17 =	vmax.f32 v17, $0.0e+00;
	v23 =	vadd.f32 v23, v1  }
0x41: {  	v18 =	vld [tilespmem:s24+$0x1C0];
	[tilespmem:s22+$0x1D0] =	vst v17;
	v16 =	vmax.f32 v16, $0.0e+00  }
0x42: {  	v22 =	vmul.f32 v22, v11;
	v17 =	vld [tilespmem:s24+$0x1D0];
	[tilespmem:s22+$0x1E0] =	vst v16;
	v23 =	vmax.f32 v23, $0.0e+00  }
0x43: {  	s23 =	sadd.s32 $0x200, s23;
	v21 =	vmul.f32 v21, v12;
	v16 =	vld [tilespmem:s24+$0x1E0];
	[tilespmem:s22+$0x1F0] =	vst v23;
	s22 =	smov.u32 s24  }
0x44: {  	v22 =	vadd.f32 v22, v15;
	v20 =	vmul.f32 v20, v9;
	v23 =	vld [tilespmem:s22+$0x1F0]  }
0x45: {  	v21 =	vadd.f32 v21, v14;
	v19 =	vmul.f32 v19, v8  }
0x46: {  	v22 =	vmax.f32 v22, $0.0e+00;
	v20 =	vadd.f32 v20, v13;
	v18 =	vmul.f32 v18, v6  }
0x47: {  	[tilespmem:s22+$0x180] =	vst v22;
	v21 =	vmax.f32 v21, $0.0e+00;
	v19 =	vadd.f32 v19, v10;
	v17 =	vmul.f32 v17, v4  }
0x48: {  	[tilespmem:s22+$0x190] =	vst v21;
	v20 =	vmax.f32 v20, $0.0e+00;
	v18 =	vadd.f32 v18, v7;
	v16 =	vmul.f32 v16, v2  }
0x49: {  	[tilespmem:s22+$0x1A0] =	vst v20;
	v19 =	vmax.f32 v19, $0.0e+00;
	v17 =	vadd.f32 v17, v5;
	v20 =	vmul.f32 v23, v0  }
0x4a: {  	[tilespmem:s22+$0x1B0] =	vst v19;
	v18 =	vmax.f32 v18, $0.0e+00;
	v16 =	vadd.f32 v16, v3  }
0x4b: {  	[tilespmem:s22+$0x1C0] =	vst v18;
	v17 =	vmax.f32 v17, $0.0e+00;
	v18 =	vadd.f32 v20, v1  }
0x4c: {  	[tilespmem:s22+$0x1D0] =	vst v17;
	v16 =	vmax.f32 v16, $0.0e+00  }
0x4d: {  	[tilespmem:s22+$0x1E0] =	vst v16;
	v16 =	vmax.f32 v18, $0.0e+00  }
0x4e: {  	s31 =	simm.s32 $0x0;
	[tilespmem:s22+$0x1F0] =	vst v16  }
0x4f: {  	[hbm4b:s8+s31] =	stream.linear.scatter [tilespmem:s11], [sflag:$0x4], $0x8000, $0x38;
	[tilespmem:$0x10180] =	vst v63  }
0x50: {  	_ =	swait.ge [sflag:s18], $0x8000  }
0x51: {  	[sflag:s18] =	ssyncset.done $0x0  }
0x52: {  	s22 =	simm.s32 $0x0;
	[sflag:s18] =	ssyncadd.s32 $0xFFFF8000  }
0x53: {  	v16 =	vld [tilespmem:s22+$0x8180]  }
0x54: {  	v21 =	vld [tilespmem:s22+$0x8190]  }
0x55: {  	v20 =	vld [tilespmem:s22+$0x81A0]  }
0x56: {  	v19 =	vld [tilespmem:s22+$0x81B0]  }
0x57: {  	v18 =	vld [tilespmem:s22+$0x81C0]  }
0x58: {  	v17 =	vld [tilespmem:s22+$0x81D0];
	v22 =	vmul.f32 v16, v11  }
0x59: {  	s23 =	simm.s32 $0x200;
	v21 =	vmul.f32 v21, v12;
	v16 =	vld [tilespmem:s22+$0x81E0]  }
.LBB2_4:
0x5a: {  	p0 =	sne.s32 s23, $0x1FE00;
	v22 =	vadd.f32 v22, v15;
	v20 =	vmul.f32 v20, v9;
	v23 =	vld [tilespmem:s22+$0x81F0]  }
0x5b: {  	v21 =	vadd.f32 v21, v14;
	v19 =	vmul.f32 v19, v8  }
0x5c: {  	v22 =	vmax.f32 v22, $0.0e+00;
	v20 =	vadd.f32 v20, v13;
	v18 =	vmul.f32 v18, v6  }
0x5d: {  	s24 =	sshra.s32 s23, $0x2;
	[tilespmem:s22+$0x8180] =	vst v22;
	v21 =	vmax.f32 v21, $0.0e+00;
	v19 =	vadd.f32 v19, v10;
	v17 =	vmul.f32 v17, v4  }
0x5e: {  	v22 =	vld [tilespmem:s24+$0x8180];
	[tilespmem:s22+$0x8190] =	vst v21;
	v20 =	vmax.f32 v20, $0.0e+00;
	v18 =	vadd.f32 v18, v7;
	v16 =	vmul.f32 v16, v2  }
0x5f: {  	v21 =	vld [tilespmem:s24+$0x8190];
	[tilespmem:s22+$0x81A0] =	vst v20;
	v19 =	vmax.f32 v19, $0.0e+00;
	v17 =	vadd.f32 v17, v5;
	v23 =	vmul.f32 v23, v0  }
.Ltmp1:
0x60: {  	v20 =	vld [tilespmem:s24+$0x81A0];
	[tilespmem:s22+$0x81B0] =	vst v19;
	v18 =	vmax.f32 v18, $0.0e+00;
	v16 =	vadd.f32 v16, v3;
	(pc) =	sbr.rel @p0 .LBB2_4-.Ltmp1, $4  }
0x61: {  	v19 =	vld [tilespmem:s24+$0x81B0];
	[tilespmem:s22+$0x81C0] =	vst v18;
	v17 =	vmax.f32 v17, $0.0e+00;
	v23 =	vadd.f32 v23, v1  }
0x62: {  	v18 =	vld [tilespmem:s24+$0x81C0];
	[tilespmem:s22+$0x81D0] =	vst v17;
	v16 =	vmax.f32 v16, $0.0e+00  }
0x63: {  	v22 =	vmul.f32 v22, v11;
	v17 =	vld [tilespmem:s24+$0x81D0];
	[tilespmem:s22+$0x81E0] =	vst v16;
	v23 =	vmax.f32 v23, $0.0e+00  }
0x64: {  	s23 =	sadd.s32 $0x200, s23;
	v21 =	vmul.f32 v21, v12;
	v16 =	vld [tilespmem:s24+$0x81E0];
	[tilespmem:s22+$0x81F0] =	vst v23;
	s22 =	smov.u32 s24  }
0x65: {  	v11 =	vadd.f32 v22, v15;
	v9 =	vmul.f32 v20, v9;
	v12 =	vld [tilespmem:s22+$0x81F0]  }
0x66: {  	v14 =	vadd.f32 v21, v14;
	v8 =	vmul.f32 v19, v8  }
0x67: {  	v11 =	vmax.f32 v11, $0.0e+00;
	v9 =	vadd.f32 v9, v13;
	v6 =	vmul.f32 v18, v6  }
0x68: {  	[tilespmem:s22+$0x8180] =	vst v11;
	v59 =	vmax.f32 v14, $0.0e+00;
	v8 =	vadd.f32 v8, v10;
	v4 =	vmul.f32 v17, v4  }
0x69: {  	[tilespmem:s22+$0x8190] =	vst v59;
	v9 =	vmax.f32 v9, $0.0e+00;
	v6 =	vadd.f32 v6, v7;
	v2 =	vmul.f32 v16, v2  }
0x6a: {  	[tilespmem:s22+$0x81A0] =	vst v9;
	v60 =	vmax.f32 v8, $0.0e+00;
	v4 =	vadd.f32 v4, v5;
	v0 =	vmul.f32 v12, v0  }
0x6b: {  	[tilespmem:s22+$0x81B0] =	vst v60;
	v61 =	vmax.f32 v6, $0.0e+00;
	v2 =	vadd.f32 v2, v3  }
0x6c: {  	[tilespmem:s22+$0x81C0] =	vst v61;
	v62 =	vmax.f32 v4, $0.0e+00;
	v0 =	vadd.f32 v0, v1  }
0x6d: {  	[tilespmem:s22+$0x81D0] =	vst v62;
	v63 =	vmax.f32 v2, $0.0e+00  }
0x6e: {  	[tilespmem:s22+$0x81E0] =	vst v63;
	v0 =	vmax.f32 v0, $0.0e+00  }
0x6f: {  	s21 =	sadd.s32 $0x1, s21;
	[tilespmem:s22+$0x81F0] =	vst v0  }
0x70: {  	[hbm4b:s9+s5] =	stream.linear.scatter [tilespmem:s12], [sflag:$0x5], $0x8000, $0x38;
	[tilespmem:$0x10180] =	vst v63  }
0x71: {  	p0 =	sne.s32 s21, s10;
	_ =	swait.ge [sflag:s19], $0x8000  }
.Ltmp2:
0x72: {  	[sflag:s19] =	ssyncset.done $0x0;
	(pc) =	sbr.rel @p0 .LBB2_1-.Ltmp2, $4  }
0x73: {  	[sflag:s19] =	ssyncadd.s32 $0xFFFF8000  }
0x74: {  	_ =	swait.ge [sflag:s20], $0x8000  }
0x75: {  	[sflag:s20] =	ssyncset.done $0x0  }
0x76: {  	[sflag:s20] =	ssyncadd.s32 $0xFFFF8000  }
0x77: {  	_ =	sfence.sel $0x180000  }
0x78: {  	[bflag:$0x0] =	sbarrier.arrive $0xFFFF  }
0x79: {  	p0 =	sne.s32 s4, $0x0;
	_ =	strace $0x90000047  }
0x7a: {  	s0 =	sadd.s32 @!p0 $0x100000, s0;
	[bflag:$0x2] =	sbarrier.arrive $0xFFFF  }
0x7b: {  	[sflag:s0] =	ssyncadd.tile.s32 @!p0 $0x1;
	_ =	shalt  }
.Lfunc_end2:
_tile_overlayer_lowered:
.L_overlay_start_2:
0x7c: {  	(tag) =	ssettag $0x2  }
0x7d: {  	s0 =	rddreg [dreg:$0x0];
	s2 =	stileid.u32  }
0x7e: {  	s1 =	rddreg [dreg:$0x1];
	p0 =	sne.s32 s2, $0x0  }
0x7f: {  	s3 =	rddreg [dreg:$0x2];
	[bflag:$0x3] =	sbarrier.arrive $0xFFFF;
	s2 =	simm.s32 @!p0 $0x1C06  }
0x80: {  	[timem:s3], [sflag:s2] =	dma.local @!p0 [hbm:s0], s1  }
0x81: {  	s0 =	simm.s32 @!p0 $0x6  }
0x82: {  	_ =	swait.ge @!p0 [sflag:s0], s1  }
0x83: {  	s1 =	ssub.s32 @!p0 $0x0, s1;
	[sflag:s0] =	ssyncset.done @!p0 $0x0  }
0x84: {  	[sflag:s0] =	ssyncadd.s32 @!p0 s1  }
0x85: {  	[bflag:$0x3] =	sbarrier.arrive $0xFFFF  }
0x86: {  	_ =	shalt  }

</sc_bundles>
